<compile_context>
chip_gen: v7x
topology: tpu7x:2x2x1
jax: 0.10.2.dev20260603
libtpu: 0.0.44.dev20260713+nightly
codegen_flags: <defaults>
</compile_context>

<pallas_src>
import functools

import jax
import jax.numpy as jnp
from jax import lax
from jax.experimental import pallas as pl
from jax.experimental.pallas import tpu as pltpu
from jax.experimental.pallas import tpu_sc as plsc

_BATCH = 16384
_HIST = 50
_D = 32
_B = _BATCH * _HIST

_info = plsc.get_sparse_core_info()
_NC, _NS = _info.num_cores, _info.num_subcores
_NW = _NC * _NS
_BATCH_PW = _BATCH // _NW
_BPW = _B // _NW
_CB = _BATCH_PW
_NV = _CB // 16
_NBUF = 2


def _make_gather():
  mesh = plsc.VectorSubcoreMesh(core_axis_name="c", subcore_axis_name="s")

  @functools.partial(
      pl.kernel,
      mesh=mesh,
      out_type=jax.ShapeDtypeStruct((_HIST * _D, _BATCH), jnp.float32),
      scratch_types=[
          pltpu.VMEM((_BPW,), jnp.int32),
          pltpu.VMEM((_BPW,), jnp.int32),
          pltpu.VMEM((_NBUF, _CB, _D), jnp.float32),
          pltpu.VMEM((_NBUF, _D, _CB + 1), jnp.float32),
          pltpu.SemaphoreType.DMA,
          pltpu.SemaphoreType.DMA,
          pltpu.SemaphoreType.DMA,
          pltpu.SemaphoreType.DMA,
      ],
      compiler_params=pltpu.CompilerParams(
          use_tc_tiling_on_sc=False, needs_layout_passes=False),
  )
  def gather_kernel(table_hbm, idx_hbm, out_hbm, idx_v, cidx_v, rows_v,
                    tout_v, gs0, gs1, ss0, ss1):
    gsems = (gs0, gs1)
    ssems = (ss0, ss1)
    wid = lax.axis_index("s") * _NC + lax.axis_index("c")
    base = wid * _BPW
    bbase = wid * _BATCH_PW

    lane = lax.iota(jnp.int32, 16)
    lane16 = lane + 16
    lane_h = lane * _HIST

    def gather_copy(t, b):
      return pltpu.make_async_copy(
          table_hbm.at[cidx_v.at[pl.ds(t * _CB, _CB)]],
          rows_v.at[b], gsems[b])

    def store_copy(t, b):
      return pltpu.make_async_copy(
          tout_v.at[b].at[:, pl.ds(0, _CB)],
          out_hbm.at[pl.ds(t * _D, _D), pl.ds(bbase, _CB)], ssems[b])

    pltpu.sync_copy(idx_hbm.at[pl.ds(base, _BPW)], idx_v)

    @plsc.parallel_loop(0, _HIST * (_NV // 8))
    def _(k):
      t = k >> 2
      vg = k & 3
      vt = lane_h + t
      vals = []
      for j in range(8):
        v = vg * 8 + j
        vals.append(
            plsc.load_gather(idx_v.at[pl.ds(v * 16 * _HIST, 16 * _HIST)],
                             [vt]))
      for j in range(8):
        cidx_v[pl.ds(t * _CB + (vg * 8 + j) * 16, 16)] = vals[j]

    gather_copy(0, 0).start()
    gather_copy(1, 1).start()

    def body(t, b):
      gather_copy(t, b).wait()

      @pl.when(t >= _NBUF)
      def _():
        store_copy(t - _NBUF, b).wait()

      rows = rows_v.at[b]
      tout = tout_v.at[b]

      @plsc.parallel_loop(0, _CB, unroll=4)
      def _(j):
        v0 = rows[j, pl.ds(0, 16)]
        v1 = rows[j, pl.ds(16, 16)]
        cj = jnp.zeros((16,), jnp.int32) + j
        plsc.store_scatter(tout, [lane, cj], v0)
        plsc.store_scatter(tout, [lane16, cj], v1)

      store_copy(t, b).start()

      @pl.when(t + _NBUF < _HIST)
      def _():
        gather_copy(t + _NBUF, b).start()

    def outer(g, carry):
      for b in range(_NBUF):
        body(g * _NBUF + b, b)
      return carry

    lax.fori_loop(0, _HIST // _NBUF, outer, 0, unroll=False)
    store_copy(_HIST - 2, 0).wait()
    store_copy(_HIST - 1, 1).wait()

  return gather_kernel


_gather = _make_gather()


def kernel(x, table):
  idx = x.reshape(_B)
  out2d = _gather(table, idx)
  out = out2d.reshape(_HIST, _D, _BATCH).transpose(2, 0, 1)
  return out

# --- scband reference (transcript-rebuilt; emitter-appended) ---
"""Pipeline reference for scband-embedder-67448166417050 (READ-ONLY COPY).

The authoritative reference and input builder live on the scoring server;
editing this copy changes nothing except your own understanding.
"""

import jax, jax.numpy as jnp
import numpy as np

VOCAB = 1000000
EMBED_DIM = 32
BATCH = 16384
HIST_LEN = 50

def setup_inputs(seed: int = 0) -> dict:
    key = jax.random.key(seed)
    k1, k2 = jax.random.split(key)
    x = jax.random.randint(k1, (BATCH, HIST_LEN), 0, VOCAB, dtype=jnp.int64 if jax.config.jax_enable_x64 else jnp.int32).astype(jnp.int32)
    table = jax.random.normal(k2, (VOCAB, EMBED_DIM), dtype=jnp.float32)
    return {"x": x, "table": table}

def reference(x, table):
    # Faithful translation of Embedder.forward: nn.Embedding lookup from a
    # pretrained (frozen) weight matrix -> pure row gather from the table.
    embed = jnp.take(table, x, axis=0)
    return embed

if __name__ == "__main__":
    import jax
    _d = setup_inputs()
    print(jax.jit(kernel)(*tuple(_d.values())))

</pallas_src>

<mosaic_0001>
#map = affine_map<(d0, d1) -> (0, 0)>
#map1 = affine_map<(d0, d1) -> (0)>
module attributes {stable_mosaic.version = 14 : i64} {
  func.func @gather_kernel(%arg0: i32, %arg1: i32, %arg2: memref<1000000x32xf32, #tpu.memory_space<hbm>>, %arg3: memref<819200xi32, #tpu.memory_space<hbm>>, %arg4: memref<1600x16384xf32, #tpu.memory_space<hbm>>, %arg5: memref<25600xi32, #tpu.memory_space<vmem>>, %arg6: memref<25600xi32, #tpu.memory_space<vmem>>, %arg7: memref<2x512x32xf32, #tpu.memory_space<vmem>>, %arg8: memref<2x32x513xf32, #tpu.memory_space<vmem>>, %arg9: memref<!tpu.dma_semaphore, #tpu.memory_space<semaphore_mem>>, %arg10: memref<!tpu.dma_semaphore, #tpu.memory_space<semaphore_mem>>, %arg11: memref<!tpu.dma_semaphore, #tpu.memory_space<semaphore_mem>>, %arg12: memref<!tpu.dma_semaphore, #tpu.memory_space<semaphore_mem>>) attributes {dimension_semantics = [#tpu.dimension_semantics<core_parallel>, #tpu.dimension_semantics<subcore_parallel>], iteration_bounds = array<i64: 2, 16>, scalar_prefetch = 0 : i64, scratch_operands = 8 : i64, tpu.core_type = #tpu.core_type<sc_vector_subcore>, window_params = [{transform_indices = #map}, {transform_indices = #map1}, {transform_indices = #map}]} {
    %mul3A = arith.constant 2 : i32
    %mul3A_0 = arith.muli %arg1, %mul3A : i32
    %add3A = arith.addi %mul3A_0, %arg0 : i32
    %mul3A_1 = arith.constant 25600 : i32
    %mul3A_2 = arith.muli %add3A, %mul3A_1 : i32
    %mul3A_3 = arith.constant 512 : i32
    %mul3A_4 = arith.muli %add3A, %mul3A_3 : i32
    %iota3A = tpu.iota {dimensions = array<i32: 0>} : vector<16xi32>
    %add3A_5 = arith.constant 16 : i32
    %add3A_6 = vector.broadcast %add3A_5 : i32 to vector<16xi32>
    %add3A_7 = arith.addi %iota3A, %add3A_6 : vector<16xi32>
    %mul3A_8 = arith.constant 50 : i32
    %mul3A_9 = vector.broadcast %mul3A_8 : i32 to vector<16xi32>
    %mul3A_10 = arith.muli %iota3A, %mul3A_9 : vector<16xi32>
    "tpu.region"() ({
      %run_scoped3A = tpu.sem_alloc : memref<!tpu.dma_semaphore, #tpu.memory_space<semaphore_mem>>
      %dma_start3A_74 = tpu.memref_slice %arg3[%mul3A_2] : memref<819200xi32, #tpu.memory_space<hbm>> -> memref<25600xi32, #tpu.memory_space<hbm>>
      %dma_start3A_75 = tpu.memref_slice %arg3[%mul3A_2] : memref<819200xi32, #tpu.memory_space<hbm>> -> memref<25600xi32, #tpu.memory_space<hbm>>
      tpu.enqueue_dma source(%dma_start3A_75 : memref<25600xi32, #tpu.memory_space<hbm>>) target(%arg5 : memref<25600xi32, #tpu.memory_space<vmem>>) target_semaphore(%run_scoped3A : memref<!tpu.dma_semaphore, #tpu.memory_space<semaphore_mem>>)
      %dma_wait3A_76 = tpu.memref_slice %arg3[%mul3A_2] : memref<819200xi32, #tpu.memory_space<hbm>> -> memref<25600xi32, #tpu.memory_space<hbm>>
      %dma_wait3A_77 = tpu.memref_slice %arg3[%mul3A_2] : memref<819200xi32, #tpu.memory_space<hbm>> -> memref<25600xi32, #tpu.memory_space<hbm>>
      tpu.wait_dma2 semaphore(%run_scoped3A : memref<!tpu.dma_semaphore, #tpu.memory_space<semaphore_mem>>) src(%dma_wait3A_77 : memref<25600xi32, #tpu.memory_space<hbm>>) dst(%arg5 : memref<25600xi32, #tpu.memory_space<vmem>>)
      tpu.yield
    }) : () -> ()
    %parallel_loop3A = arith.constant 0 : i32
    %parallel_loop3A_11 = arith.constant 200 : i32
    %parallel_loop3A_12 = arith.constant 1 : i32
    scf.for %parallel_loop3A_74 = %parallel_loop3A to %parallel_loop3A_11 step %parallel_loop3A_12  : i32 {
      %parallel_loop3A_75 = arith.constant 2 : i32
      %parallel_loop3A_76 = arith.shrsi %parallel_loop3A_74, %parallel_loop3A_75 : i32
      %parallel_loop3A_77 = arith.constant 3 : i32
      %parallel_loop3A_78 = arith.andi %parallel_loop3A_74, %parallel_loop3A_77 : i32
      %parallel_loop3A_79 = vector.broadcast %parallel_loop3A_76 : i32 to vector<16xi32>
      %parallel_loop3A_80 = arith.addi %mul3A_10, %parallel_loop3A_79 : vector<16xi32>
      %parallel_loop3A_81 = arith.constant 8 : i32
      %parallel_loop3A_82 = arith.muli %parallel_loop3A_78, %parallel_loop3A_81 : i32
      %parallel_loop3A_83 = arith.constant 0 : i32
      %parallel_loop3A_84 = arith.addi %parallel_loop3A_82, %parallel_loop3A_83 : i32
      %parallel_loop3A_85 = arith.constant 16 : i32
      %parallel_loop3A_86 = arith.muli %parallel_loop3A_84, %parallel_loop3A_85 : i32
      %parallel_loop3A_87 = arith.constant 50 : i32
      %parallel_loop3A_88 = arith.muli %parallel_loop3A_86, %parallel_loop3A_87 : i32
      %parallel_loop3A_89 = tpu.memref_slice %arg5[%parallel_loop3A_88] : memref<25600xi32, #tpu.memory_space<vmem>> -> memref<800xi32, #tpu.memory_space<vmem>>
      %parallel_loop3A_90 = tpu.vector_load_idx %parallel_loop3A_89[%parallel_loop3A_80] : memref<800xi32, #tpu.memory_space<vmem>>[vector<16xi32>], vector<16xi32>,
      %parallel_loop3A_91 = arith.constant 8 : i32
      %parallel_loop3A_92 = arith.muli %parallel_loop3A_78, %parallel_loop3A_91 : i32
      %parallel_loop3A_93 = arith.constant 1 : i32
      %parallel_loop3A_94 = arith.addi %parallel_loop3A_92, %parallel_loop3A_93 : i32
      %parallel_loop3A_95 = arith.constant 16 : i32
      %parallel_loop3A_96 = arith.muli %parallel_loop3A_94, %parallel_loop3A_95 : i32
      %parallel_loop3A_97 = arith.constant 50 : i32
      %parallel_loop3A_98 = arith.muli %parallel_loop3A_96, %parallel_loop3A_97 : i32
      %parallel_loop3A_99 = tpu.memref_slice %arg5[%parallel_loop3A_98] : memref<25600xi32, #tpu.memory_space<vmem>> -> memref<800xi32, #tpu.memory_space<vmem>>
      %parallel_loop3A_100 = tpu.vector_load_idx %parallel_loop3A_99[%parallel_loop3A_80] : memref<800xi32, #tpu.memory_space<vmem>>[vector<16xi32>], vector<16xi32>,
      %parallel_loop3A_101 = arith.constant 8 : i32
      %parallel_loop3A_102 = arith.muli %parallel_loop3A_78, %parallel_loop3A_101 : i32
      %parallel_loop3A_103 = arith.constant 2 : i32
      %parallel_loop3A_104 = arith.addi %parallel_loop3A_102, %parallel_loop3A_103 : i32
      %parallel_loop3A_105 = arith.constant 16 : i32
      %parallel_loop3A_106 = arith.muli %parallel_loop3A_104, %parallel_loop3A_105 : i32
      %parallel_loop3A_107 = arith.constant 50 : i32
      %parallel_loop3A_108 = arith.muli %parallel_loop3A_106, %parallel_loop3A_107 : i32
      %parallel_loop3A_109 = tpu.memref_slice %arg5[%parallel_loop3A_108] : memref<25600xi32, #tpu.memory_space<vmem>> -> memref<800xi32, #tpu.memory_space<vmem>>
      %parallel_loop3A_110 = tpu.vector_load_idx %parallel_loop3A_109[%parallel_loop3A_80] : memref<800xi32, #tpu.memory_space<vmem>>[vector<16xi32>], vector<16xi32>,
      %parallel_loop3A_111 = arith.constant 8 : i32
      %parallel_loop3A_112 = arith.muli %parallel_loop3A_78, %parallel_loop3A_111 : i32
      %parallel_loop3A_113 = arith.constant 3 : i32
      %parallel_loop3A_114 = arith.addi %parallel_loop3A_112, %parallel_loop3A_113 : i32
      %parallel_loop3A_115 = arith.constant 16 : i32
      %parallel_loop3A_116 = arith.muli %parallel_loop3A_114, %parallel_loop3A_115 : i32
      %parallel_loop3A_117 = arith.constant 50 : i32
      %parallel_loop3A_118 = arith.muli %parallel_loop3A_116, %parallel_loop3A_117 : i32
      %parallel_loop3A_119 = tpu.memref_slice %arg5[%parallel_loop3A_118] : memref<25600xi32, #tpu.memory_space<vmem>> -> memref<800xi32, #tpu.memory_space<vmem>>
      %parallel_loop3A_120 = tpu.vector_load_idx %parallel_loop3A_119[%parallel_loop3A_80] : memref<800xi32, #tpu.memory_space<vmem>>[vector<16xi32>], vector<16xi32>,
      %parallel_loop3A_121 = arith.constant 8 : i32
      %parallel_loop3A_122 = arith.muli %parallel_loop3A_78, %parallel_loop3A_121 : i32
      %parallel_loop3A_123 = arith.constant 4 : i32
      %parallel_loop3A_124 = arith.addi %parallel_loop3A_122, %parallel_loop3A_123 : i32
      %parallel_loop3A_125 = arith.constant 16 : i32
      %parallel_loop3A_126 = arith.muli %parallel_loop3A_124, %parallel_loop3A_125 : i32
      %parallel_loop3A_127 = arith.constant 50 : i32
      %parallel_loop3A_128 = arith.muli %parallel_loop3A_126, %parallel_loop3A_127 : i32
      %parallel_loop3A_129 = tpu.memref_slice %arg5[%parallel_loop3A_128] : memref<25600xi32, #tpu.memory_space<vmem>> -> memref<800xi32, #tpu.memory_space<vmem>>
      %parallel_loop3A_130 = tpu.vector_load_idx %parallel_loop3A_129[%parallel_loop3A_80] : memref<800xi32, #tpu.memory_space<vmem>>[vector<16xi32>], vector<16xi32>,
      %parallel_loop3A_131 = arith.constant 8 : i32
      %parallel_loop3A_132 = arith.muli %parallel_loop3A_78, %parallel_loop3A_131 : i32
      %parallel_loop3A_133 = arith.constant 5 : i32
      %parallel_loop3A_134 = arith.addi %parallel_loop3A_132, %parallel_loop3A_133 : i32
      %parallel_loop3A_135 = arith.constant 16 : i32
      %parallel_loop3A_136 = arith.muli %parallel_loop3A_134, %parallel_loop3A_135 : i32
      %parallel_loop3A_137 = arith.constant 50 : i32
      %parallel_loop3A_138 = arith.muli %parallel_loop3A_136, %parallel_loop3A_137 : i32
      %parallel_loop3A_139 = tpu.memref_slice %arg5[%parallel_loop3A_138] : memref<25600xi32, #tpu.memory_space<vmem>> -> memref<800xi32, #tpu.memory_space<vmem>>
      %parallel_loop3A_140 = tpu.vector_load_idx %parallel_loop3A_139[%parallel_loop3A_80] : memref<800xi32, #tpu.memory_space<vmem>>[vector<16xi32>], vector<16xi32>,
      %parallel_loop3A_141 = arith.constant 8 : i32
      %parallel_loop3A_142 = arith.muli %parallel_loop3A_78, %parallel_loop3A_141 : i32
      %parallel_loop3A_143 = arith.constant 6 : i32
      %parallel_loop3A_144 = arith.addi %parallel_loop3A_142, %parallel_loop3A_143 : i32
      %parallel_loop3A_145 = arith.constant 16 : i32
      %parallel_loop3A_146 = arith.muli %parallel_loop3A_144, %parallel_loop3A_145 : i32
      %parallel_loop3A_147 = arith.constant 50 : i32
      %parallel_loop3A_148 = arith.muli %parallel_loop3A_146, %parallel_loop3A_147 : i32
      %parallel_loop3A_149 = tpu.memref_slice %arg5[%parallel_loop3A_148] : memref<25600xi32, #tpu.memory_space<vmem>> -> memref<800xi32, #tpu.memory_space<vmem>>
      %parallel_loop3A_150 = tpu.vector_load_idx %parallel_loop3A_149[%parallel_loop3A_80] : memref<800xi32, #tpu.memory_space<vmem>>[vector<16xi32>], vector<16xi32>,
      %parallel_loop3A_151 = arith.constant 8 : i32
      %parallel_loop3A_152 = arith.muli %parallel_loop3A_78, %parallel_loop3A_151 : i32
      %parallel_loop3A_153 = arith.constant 7 : i32
      %parallel_loop3A_154 = arith.addi %parallel_loop3A_152, %parallel_loop3A_153 : i32
      %parallel_loop3A_155 = arith.constant 16 : i32
      %parallel_loop3A_156 = arith.muli %parallel_loop3A_154, %parallel_loop3A_155 : i32
      %parallel_loop3A_157 = arith.constant 50 : i32
      %parallel_loop3A_158 = arith.muli %parallel_loop3A_156, %parallel_loop3A_157 : i32
      %parallel_loop3A_159 = tpu.memref_slice %arg5[%parallel_loop3A_158] : memref<25600xi32, #tpu.memory_space<vmem>> -> memref<800xi32, #tpu.memory_space<vmem>>
      %parallel_loop3A_160 = tpu.vector_load_idx %parallel_loop3A_159[%parallel_loop3A_80] : memref<800xi32, #tpu.memory_space<vmem>>[vector<16xi32>], vector<16xi32>,
      %parallel_loop3A_161 = arith.constant 512 : i32
      %parallel_loop3A_162 = arith.muli %parallel_loop3A_76, %parallel_loop3A_161 : i32
      %parallel_loop3A_163 = arith.constant 8 : i32
      %parallel_loop3A_164 = arith.muli %parallel_loop3A_78, %parallel_loop3A_163 : i32
      %parallel_loop3A_165 = arith.constant 0 : i32
      %parallel_loop3A_166 = arith.addi %parallel_loop3A_164, %parallel_loop3A_165 : i32
      %parallel_loop3A_167 = arith.constant 16 : i32
      %parallel_loop3A_168 = arith.muli %parallel_loop3A_166, %parallel_loop3A_167 : i32
      %parallel_loop3A_169 = arith.addi %parallel_loop3A_162, %parallel_loop3A_168 : i32
      %parallel_loop3A_170 = arith.index_cast %parallel_loop3A_169 : i32 to index
      %parallel_loop3A_171 = tpu.vector_load %arg6[%parallel_loop3A_170] {strides = array<i32>} : memref<25600xi32, #tpu.memory_space<vmem>>, vector<16xi32>,
      tpu.vector_store %arg6[%parallel_loop3A_170], %parallel_loop3A_90 {strides = array<i32>} : memref<25600xi32, #tpu.memory_space<vmem>>, vector<16xi32>,
      %parallel_loop3A_172 = arith.constant 512 : i32
      %parallel_loop3A_173 = arith.muli %parallel_loop3A_76, %parallel_loop3A_172 : i32
      %parallel_loop3A_174 = arith.constant 8 : i32
      %parallel_loop3A_175 = arith.muli %parallel_loop3A_78, %parallel_loop3A_174 : i32
      %parallel_loop3A_176 = arith.constant 1 : i32
      %parallel_loop3A_177 = arith.addi %parallel_loop3A_175, %parallel_loop3A_176 : i32
      %parallel_loop3A_178 = arith.constant 16 : i32
      %parallel_loop3A_179 = arith.muli %parallel_loop3A_177, %parallel_loop3A_178 : i32
      %parallel_loop3A_180 = arith.addi %parallel_loop3A_173, %parallel_loop3A_179 : i32
      %parallel_loop3A_181 = arith.index_cast %parallel_loop3A_180 : i32 to index
      %parallel_loop3A_182 = tpu.vector_load %arg6[%parallel_loop3A_181] {strides = array<i32>} : memref<25600xi32, #tpu.memory_space<vmem>>, vector<16xi32>,
      tpu.vector_store %arg6[%parallel_loop3A_181], %parallel_loop3A_100 {strides = array<i32>} : memref<25600xi32, #tpu.memory_space<vmem>>, vector<16xi32>,
      %parallel_loop3A_183 = arith.constant 512 : i32
      %parallel_loop3A_184 = arith.muli %parallel_loop3A_76, %parallel_loop3A_183 : i32
      %parallel_loop3A_185 = arith.constant 8 : i32
      %parallel_loop3A_186 = arith.muli %parallel_loop3A_78, %parallel_loop3A_185 : i32
      %parallel_loop3A_187 = arith.constant 2 : i32
      %parallel_loop3A_188 = arith.addi %parallel_loop3A_186, %parallel_loop3A_187 : i32
      %parallel_loop3A_189 = arith.constant 16 : i32
      %parallel_loop3A_190 = arith.muli %parallel_loop3A_188, %parallel_loop3A_189 : i32
      %parallel_loop3A_191 = arith.addi %parallel_loop3A_184, %parallel_loop3A_190 : i32
      %parallel_loop3A_192 = arith.index_cast %parallel_loop3A_191 : i32 to index
      %parallel_loop3A_193 = tpu.vector_load %arg6[%parallel_loop3A_192] {strides = array<i32>} : memref<25600xi32, #tpu.memory_space<vmem>>, vector<16xi32>,
      tpu.vector_store %arg6[%parallel_loop3A_192], %parallel_loop3A_110 {strides = array<i32>} : memref<25600xi32, #tpu.memory_space<vmem>>, vector<16xi32>,
      %parallel_loop3A_194 = arith.constant 512 : i32
      %parallel_loop3A_195 = arith.muli %parallel_loop3A_76, %parallel_loop3A_194 : i32
      %parallel_loop3A_196 = arith.constant 8 : i32
      %parallel_loop3A_197 = arith.muli %parallel_loop3A_78, %parallel_loop3A_196 : i32
      %parallel_loop3A_198 = arith.constant 3 : i32
      %parallel_loop3A_199 = arith.addi %parallel_loop3A_197, %parallel_loop3A_198 : i32
      %parallel_loop3A_200 = arith.constant 16 : i32
      %parallel_loop3A_201 = arith.muli %parallel_loop3A_199, %parallel_loop3A_200 : i32
      %parallel_loop3A_202 = arith.addi %parallel_loop3A_195, %parallel_loop3A_201 : i32
      %parallel_loop3A_203 = arith.index_cast %parallel_loop3A_202 : i32 to index
      %parallel_loop3A_204 = tpu.vector_load %arg6[%parallel_loop3A_203] {strides = array<i32>} : memref<25600xi32, #tpu.memory_space<vmem>>, vector<16xi32>,
      tpu.vector_store %arg6[%parallel_loop3A_203], %parallel_loop3A_120 {strides = array<i32>} : memref<25600xi32, #tpu.memory_space<vmem>>, vector<16xi32>,
      %parallel_loop3A_205 = arith.constant 512 : i32
      %parallel_loop3A_206 = arith.muli %parallel_loop3A_76, %parallel_loop3A_205 : i32
      %parallel_loop3A_207 = arith.constant 8 : i32
      %parallel_loop3A_208 = arith.muli %parallel_loop3A_78, %parallel_loop3A_207 : i32
      %parallel_loop3A_209 = arith.constant 4 : i32
      %parallel_loop3A_210 = arith.addi %parallel_loop3A_208, %parallel_loop3A_209 : i32
      %parallel_loop3A_211 = arith.constant 16 : i32
      %parallel_loop3A_212 = arith.muli %parallel_loop3A_210, %parallel_loop3A_211 : i32
      %parallel_loop3A_213 = arith.addi %parallel_loop3A_206, %parallel_loop3A_212 : i32
      %parallel_loop3A_214 = arith.index_cast %parallel_loop3A_213 : i32 to index
      %parallel_loop3A_215 = tpu.vector_load %arg6[%parallel_loop3A_214] {strides = array<i32>} : memref<25600xi32, #tpu.memory_space<vmem>>, vector<16xi32>,
      tpu.vector_store %arg6[%parallel_loop3A_214], %parallel_loop3A_130 {strides = array<i32>} : memref<25600xi32, #tpu.memory_space<vmem>>, vector<16xi32>,
      %parallel_loop3A_216 = arith.constant 512 : i32
      %parallel_loop3A_217 = arith.muli %parallel_loop3A_76, %parallel_loop3A_216 : i32
      %parallel_loop3A_218 = arith.constant 8 : i32
      %parallel_loop3A_219 = arith.muli %parallel_loop3A_78, %parallel_loop3A_218 : i32
      %parallel_loop3A_220 = arith.constant 5 : i32
      %parallel_loop3A_221 = arith.addi %parallel_loop3A_219, %parallel_loop3A_220 : i32
      %parallel_loop3A_222 = arith.constant 16 : i32
      %parallel_loop3A_223 = arith.muli %parallel_loop3A_221, %parallel_loop3A_222 : i32
      %parallel_loop3A_224 = arith.addi %parallel_loop3A_217, %parallel_loop3A_223 : i32
      %parallel_loop3A_225 = arith.index_cast %parallel_loop3A_224 : i32 to index
      %parallel_loop3A_226 = tpu.vector_load %arg6[%parallel_loop3A_225] {strides = array<i32>} : memref<25600xi32, #tpu.memory_space<vmem>>, vector<16xi32>,
      tpu.vector_store %arg6[%parallel_loop3A_225], %parallel_loop3A_140 {strides = array<i32>} : memref<25600xi32, #tpu.memory_space<vmem>>, vector<16xi32>,
      %parallel_loop3A_227 = arith.constant 512 : i32
      %parallel_loop3A_228 = arith.muli %parallel_loop3A_76, %parallel_loop3A_227 : i32
      %parallel_loop3A_229 = arith.constant 8 : i32
      %parallel_loop3A_230 = arith.muli %parallel_loop3A_78, %parallel_loop3A_229 : i32
      %parallel_loop3A_231 = arith.constant 6 : i32
      %parallel_loop3A_232 = arith.addi %parallel_loop3A_230, %parallel_loop3A_231 : i32
      %parallel_loop3A_233 = arith.constant 16 : i32
      %parallel_loop3A_234 = arith.muli %parallel_loop3A_232, %parallel_loop3A_233 : i32
      %parallel_loop3A_235 = arith.addi %parallel_loop3A_228, %parallel_loop3A_234 : i32
      %parallel_loop3A_236 = arith.index_cast %parallel_loop3A_235 : i32 to index
      %parallel_loop3A_237 = tpu.vector_load %arg6[%parallel_loop3A_236] {strides = array<i32>} : memref<25600xi32, #tpu.memory_space<vmem>>, vector<16xi32>,
      tpu.vector_store %arg6[%parallel_loop3A_236], %parallel_loop3A_150 {strides = array<i32>} : memref<25600xi32, #tpu.memory_space<vmem>>, vector<16xi32>,
      %parallel_loop3A_238 = arith.constant 512 : i32
      %parallel_loop3A_239 = arith.muli %parallel_loop3A_76, %parallel_loop3A_238 : i32
      %parallel_loop3A_240 = arith.constant 8 : i32
      %parallel_loop3A_241 = arith.muli %parallel_loop3A_78, %parallel_loop3A_240 : i32
      %parallel_loop3A_242 = arith.constant 7 : i32
      %parallel_loop3A_243 = arith.addi %parallel_loop3A_241, %parallel_loop3A_242 : i32
      %parallel_loop3A_244 = arith.constant 16 : i32
      %parallel_loop3A_245 = arith.muli %parallel_loop3A_243, %parallel_loop3A_244 : i32
      %parallel_loop3A_246 = arith.addi %parallel_loop3A_239, %parallel_loop3A_245 : i32
      %parallel_loop3A_247 = arith.index_cast %parallel_loop3A_246 : i32 to index
      %parallel_loop3A_248 = tpu.vector_load %arg6[%parallel_loop3A_247] {strides = array<i32>} : memref<25600xi32, #tpu.memory_space<vmem>>, vector<16xi32>,
      tpu.vector_store %arg6[%parallel_loop3A_247], %parallel_loop3A_160 {strides = array<i32>} : memref<25600xi32, #tpu.memory_space<vmem>>, vector<16xi32>,
    } {sc.loop_unroll_factor = 1 : i64, sc.parallel_access}
    %dma_start3A = arith.constant 0 : i32
    %dma_start3A_13 = arith.constant 0 : i32
    %dma_start3A_14 = arith.constant 0 : i32
    %dma_start3A_15 = tpu.memref_slice %arg7[%dma_start3A, %dma_start3A_13, %dma_start3A_14] : memref<2x512x32xf32, #tpu.memory_space<vmem>> -> memref<1x512x32xf32, #tpu.memory_space<vmem>>
    %dma_start3A_16 = tpu.memref_squeeze %dma_start3A_15 : memref<1x512x32xf32, #tpu.memory_space<vmem>> -> memref<512x32xf32, #tpu.memory_space<vmem>>
    %dma_start3A_17 = arith.constant 0 : i32
    %dma_start3A_18 = tpu.memref_slice %arg6[%dma_start3A_17] : memref<25600xi32, #tpu.memory_space<vmem>> -> memref<512xi32, #tpu.memory_space<vmem>>
    %dma_start3A_19 = arith.constant 0 : i32
    %dma_start3A_20 = arith.constant 0 : i32
    %dma_start3A_21 = tpu.memref_slice %arg2[%dma_start3A_19, %dma_start3A_20] : memref<1000000x32xf32, #tpu.memory_space<hbm>> -> memref<1000000x32xf32, #tpu.memory_space<hbm>>
    tpu.enqueue_indirect_dma source(%dma_start3A_21 : memref<1000000x32xf32, #tpu.memory_space<hbm>>) target(%dma_start3A_16 : memref<512x32xf32, #tpu.memory_space<vmem>>) offsets(%dma_start3A_18 : memref<512xi32, #tpu.memory_space<vmem>>) semaphore(%arg9 : memref<!tpu.dma_semaphore, #tpu.memory_space<semaphore_mem>>)
    %dma_start3A_22 = arith.constant 1 : i32
    %dma_start3A_23 = arith.constant 0 : i32
    %dma_start3A_24 = arith.constant 0 : i32
    %dma_start3A_25 = tpu.memref_slice %arg7[%dma_start3A_22, %dma_start3A_23, %dma_start3A_24] : memref<2x512x32xf32, #tpu.memory_space<vmem>> -> memref<1x512x32xf32, #tpu.memory_space<vmem>>
    %dma_start3A_26 = tpu.memref_squeeze %dma_start3A_25 : memref<1x512x32xf32, #tpu.memory_space<vmem>> -> memref<512x32xf32, #tpu.memory_space<vmem>>
    %dma_start3A_27 = arith.constant 512 : i32
    %dma_start3A_28 = tpu.memref_slice %arg6[%dma_start3A_27] : memref<25600xi32, #tpu.memory_space<vmem>> -> memref<512xi32, #tpu.memory_space<vmem>>
    %dma_start3A_29 = arith.constant 0 : i32
    %dma_start3A_30 = arith.constant 0 : i32
    %dma_start3A_31 = tpu.memref_slice %arg2[%dma_start3A_29, %dma_start3A_30] : memref<1000000x32xf32, #tpu.memory_space<hbm>> -> memref<1000000x32xf32, #tpu.memory_space<hbm>>
    tpu.enqueue_indirect_dma source(%dma_start3A_31 : memref<1000000x32xf32, #tpu.memory_space<hbm>>) target(%dma_start3A_26 : memref<512x32xf32, #tpu.memory_space<vmem>>) offsets(%dma_start3A_28 : memref<512xi32, #tpu.memory_space<vmem>>) semaphore(%arg10 : memref<!tpu.dma_semaphore, #tpu.memory_space<semaphore_mem>>)
    %scan3A = arith.constant 0 : i32
    %scan3A_32 = arith.constant 0 : i32
    %scan3A_33 = arith.constant 25 : i32
    %scan3A_34 = arith.addi %scan3A_32, %scan3A_33 : i32
    %scan3A_35 = arith.constant 1 : i32
    scf.for %scan3A_74 = %scan3A_32 to %scan3A_34 step %scan3A_35  : i32 {
      %mul3A_75 = arith.constant 2 : i32
      %mul3A_76 = arith.muli %scan3A_74, %mul3A_75 : i32
      %add3A_77 = arith.constant 0 : i32
      %add3A_78 = arith.addi %mul3A_76, %add3A_77 : i32
      %mul3A_79 = arith.constant 512 : i32
      %mul3A_80 = arith.muli %add3A_78, %mul3A_79 : i32
      %dma_wait3A_81 = arith.constant 0 : i32
      %dma_wait3A_82 = arith.constant 0 : i32
      %dma_wait3A_83 = arith.constant 0 : i32
      %dma_wait3A_84 = tpu.memref_slice %arg7[%dma_wait3A_81, %dma_wait3A_82, %dma_wait3A_83] : memref<2x512x32xf32, #tpu.memory_space<vmem>> -> memref<1x512x32xf32, #tpu.memory_space<vmem>>
      %dma_wait3A_85 = tpu.memref_squeeze %dma_wait3A_84 : memref<1x512x32xf32, #tpu.memory_space<vmem>> -> memref<512x32xf32, #tpu.memory_space<vmem>>
      %dma_wait3A_86 = tpu.memref_slice %arg6[%mul3A_80] : memref<25600xi32, #tpu.memory_space<vmem>> -> memref<512xi32, #tpu.memory_space<vmem>>
      %dma_wait3A_87 = arith.constant 0 : i32
      %dma_wait3A_88 = arith.constant 0 : i32
      %dma_wait3A_89 = tpu.memref_slice %arg2[%dma_wait3A_87, %dma_wait3A_88] : memref<1000000x32xf32, #tpu.memory_space<hbm>> -> memref<1000000x32xf32, #tpu.memory_space<hbm>>
      tpu.wait_indirect_dma semaphore(%arg9 : memref<!tpu.dma_semaphore, #tpu.memory_space<semaphore_mem>>) src(%dma_wait3A_89 : memref<1000000x32xf32, #tpu.memory_space<hbm>>) dst(%dma_wait3A_85 : memref<512x32xf32, #tpu.memory_space<vmem>>)
      %ge3A = arith.constant 2 : i32
      %ge3A_90 = arith.cmpi sge, %add3A_78, %ge3A : i32
      %convert_element_type3A = arith.extui %ge3A_90 : i1 to i32
      %cond3A = arith.constant 0 : i32
      %cond3A_91 = arith.cmpi ne, %convert_element_type3A, %cond3A : i32
      scf.if %cond3A_91 {
        %sub3A = arith.constant 2 : i32
        %sub3A_173 = arith.subi %add3A_78, %sub3A : i32
        %mul3A_174 = arith.constant 32 : i32
        %mul3A_175 = arith.muli %sub3A_173, %mul3A_174 : i32
        %dma_wait3A_176 = arith.constant 0 : i32
        %dma_wait3A_177 = arith.constant 0 : i32
        %dma_wait3A_178 = arith.constant 0 : i32
        %dma_wait3A_179 = tpu.memref_slice %arg8[%dma_wait3A_176, %dma_wait3A_177, %dma_wait3A_178] : memref<2x32x513xf32, #tpu.memory_space<vmem>> -> memref<1x32x513xf32, #tpu.memory_space<vmem>>
        %dma_wait3A_180 = tpu.memref_squeeze %dma_wait3A_179 : memref<1x32x513xf32, #tpu.memory_space<vmem>> -> memref<32x513xf32, #tpu.memory_space<vmem>>
        %dma_wait3A_181 = arith.constant 0 : i32
        %dma_wait3A_182 = arith.constant 0 : i32
        %dma_wait3A_183 = tpu.memref_slice %dma_wait3A_180[%dma_wait3A_181, %dma_wait3A_182] : memref<32x513xf32, #tpu.memory_space<vmem>> -> memref<32x512xf32, #tpu.memory_space<vmem>>
        %dma_wait3A_184 = tpu.memref_slice %arg4[%mul3A_175, %mul3A_4] : memref<1600x16384xf32, #tpu.memory_space<hbm>> -> memref<32x512xf32, #tpu.memory_space<hbm>>
        %dma_wait3A_185 = tpu.memref_slice %arg4[%mul3A_175, %mul3A_4] : memref<1600x16384xf32, #tpu.memory_space<hbm>> -> memref<32x512xf32, #tpu.memory_space<hbm>>
        %dma_wait3A_186 = arith.constant 0 : i32
        %dma_wait3A_187 = arith.constant 0 : i32
        %dma_wait3A_188 = tpu.memref_slice %arg8[%dma_wait3A_176, %dma_wait3A_186, %dma_wait3A_187] : memref<2x32x513xf32, #tpu.memory_space<vmem>> -> memref<1x32x513xf32, #tpu.memory_space<vmem>>
        %dma_wait3A_189 = tpu.memref_squeeze %dma_wait3A_188 : memref<1x32x513xf32, #tpu.memory_space<vmem>> -> memref<32x513xf32, #tpu.memory_space<vmem>>
        %dma_wait3A_190 = arith.constant 0 : i32
        %dma_wait3A_191 = arith.constant 0 : i32
        %dma_wait3A_192 = tpu.memref_slice %dma_wait3A_189[%dma_wait3A_190, %dma_wait3A_191] : memref<32x513xf32, #tpu.memory_space<vmem>> -> memref<32x512xf32, #tpu.memory_space<vmem>>
        tpu.wait_dma2 semaphore(%arg11 : memref<!tpu.dma_semaphore, #tpu.memory_space<semaphore_mem>>) src(%dma_wait3A_192 : memref<32x512xf32, #tpu.memory_space<vmem>>) dst(%dma_wait3A_185 : memref<32x512xf32, #tpu.memory_space<hbm>>)
      } else {
      }
      %parallel_loop3A_92 = arith.constant 0 : i32
      %parallel_loop3A_93 = arith.constant 512 : i32
      %parallel_loop3A_94 = arith.constant 1 : i32
      %parallel_loop3A_95 = arith.constant 0 : i32
      %parallel_loop3A_96 = arith.constant 0 : i32
      scf.for %parallel_loop3A_173 = %parallel_loop3A_92 to %parallel_loop3A_93 step %parallel_loop3A_94  : i32 {
        %parallel_loop3A_174 = arith.constant 0 : i32
        %parallel_loop3A_175 = arith.constant 0 : i32
        %parallel_loop3A_176 = tpu.memref_slice %arg7[%parallel_loop3A_95, %parallel_loop3A_174, %parallel_loop3A_175] : memref<2x512x32xf32, #tpu.memory_space<vmem>> -> memref<1x512x32xf32, #tpu.memory_space<vmem>>
        %parallel_loop3A_177 = tpu.memref_squeeze %parallel_loop3A_176 : memref<1x512x32xf32, #tpu.memory_space<vmem>> -> memref<512x32xf32, #tpu.memory_space<vmem>>
        %parallel_loop3A_178 = arith.index_cast %parallel_loop3A_173 : i32 to index
        %parallel_loop3A_179 = arith.constant 0 : index
        %parallel_loop3A_180 = tpu.vector_load %parallel_loop3A_177[%parallel_loop3A_178, %parallel_loop3A_179] {strides = array<i32>} : memref<512x32xf32, #tpu.memory_space<vmem>>, vector<16xf32>,
        %parallel_loop3A_181 = arith.constant 0 : i32
        %parallel_loop3A_182 = arith.constant 0 : i32
        %parallel_loop3A_183 = tpu.memref_slice %arg7[%parallel_loop3A_95, %parallel_loop3A_181, %parallel_loop3A_182] : memref<2x512x32xf32, #tpu.memory_space<vmem>> -> memref<1x512x32xf32, #tpu.memory_space<vmem>>
        %parallel_loop3A_184 = tpu.memref_squeeze %parallel_loop3A_183 : memref<1x512x32xf32, #tpu.memory_space<vmem>> -> memref<512x32xf32, #tpu.memory_space<vmem>>
        %parallel_loop3A_185 = arith.index_cast %parallel_loop3A_173 : i32 to index
        %parallel_loop3A_186 = arith.constant 16 : index
        %parallel_loop3A_187 = tpu.vector_load %parallel_loop3A_184[%parallel_loop3A_185, %parallel_loop3A_186] {strides = array<i32>} : memref<512x32xf32, #tpu.memory_space<vmem>>, vector<16xf32>,
        %parallel_loop3A_188 = arith.constant 0 : i32
        %parallel_loop3A_189 = vector.broadcast %parallel_loop3A_188 : i32 to vector<16xi32>
        %parallel_loop3A_190 = vector.broadcast %parallel_loop3A_173 : i32 to vector<16xi32>
        %parallel_loop3A_191 = arith.addi %parallel_loop3A_189, %parallel_loop3A_190 : vector<16xi32>
        %parallel_loop3A_192 = arith.constant 0 : i32
        %parallel_loop3A_193 = arith.constant 0 : i32
        %parallel_loop3A_194 = tpu.memref_slice %arg8[%parallel_loop3A_96, %parallel_loop3A_192, %parallel_loop3A_193] : memref<2x32x513xf32, #tpu.memory_space<vmem>> -> memref<1x32x513xf32, #tpu.memory_space<vmem>>
        %parallel_loop3A_195 = tpu.memref_squeeze %parallel_loop3A_194 : memref<1x32x513xf32, #tpu.memory_space<vmem>> -> memref<32x513xf32, #tpu.memory_space<vmem>>
        tpu.vector_store_idx %parallel_loop3A_195[%iota3A, %parallel_loop3A_191], %parallel_loop3A_180 : memref<32x513xf32, #tpu.memory_space<vmem>>[vector<16xi32>, vector<16xi32>], vector<16xf32>,
        %parallel_loop3A_196 = arith.constant 0 : i32
        %parallel_loop3A_197 = arith.constant 0 : i32
        %parallel_loop3A_198 = tpu.memref_slice %arg8[%parallel_loop3A_96, %parallel_loop3A_196, %parallel_loop3A_197] : memref<2x32x513xf32, #tpu.memory_space<vmem>> -> memref<1x32x513xf32, #tpu.memory_space<vmem>>
        %parallel_loop3A_199 = tpu.memref_squeeze %parallel_loop3A_198 : memref<1x32x513xf32, #tpu.memory_space<vmem>> -> memref<32x513xf32, #tpu.memory_space<vmem>>
        tpu.vector_store_idx %parallel_loop3A_199[%add3A_7, %parallel_loop3A_191], %parallel_loop3A_187 : memref<32x513xf32, #tpu.memory_space<vmem>>[vector<16xi32>, vector<16xi32>], vector<16xf32>,
      } {sc.loop_unroll_factor = 4 : i64, sc.parallel_access}
      %mul3A_97 = arith.constant 32 : i32
      %mul3A_98 = arith.muli %add3A_78, %mul3A_97 : i32
      %dma_start3A_99 = arith.constant 0 : i32
      %dma_start3A_100 = arith.constant 0 : i32
      %dma_start3A_101 = arith.constant 0 : i32
      %dma_start3A_102 = tpu.memref_slice %arg8[%dma_start3A_99, %dma_start3A_100, %dma_start3A_101] : memref<2x32x513xf32, #tpu.memory_space<vmem>> -> memref<1x32x513xf32, #tpu.memory_space<vmem>>
      %dma_start3A_103 = tpu.memref_squeeze %dma_start3A_102 : memref<1x32x513xf32, #tpu.memory_space<vmem>> -> memref<32x513xf32, #tpu.memory_space<vmem>>
      %dma_start3A_104 = arith.constant 0 : i32
      %dma_start3A_105 = arith.constant 0 : i32
      %dma_start3A_106 = tpu.memref_slice %dma_start3A_103[%dma_start3A_104, %dma_start3A_105] : memref<32x513xf32, #tpu.memory_space<vmem>> -> memref<32x512xf32, #tpu.memory_space<vmem>>
      %dma_start3A_107 = tpu.memref_slice %arg4[%mul3A_98, %mul3A_4] : memref<1600x16384xf32, #tpu.memory_space<hbm>> -> memref<32x512xf32, #tpu.memory_space<hbm>>
      %dma_start3A_108 = tpu.memref_slice %arg4[%mul3A_98, %mul3A_4] : memref<1600x16384xf32, #tpu.memory_space<hbm>> -> memref<32x512xf32, #tpu.memory_space<hbm>>
      %dma_start3A_109 = arith.constant 0 : i32
      %dma_start3A_110 = arith.constant 0 : i32
      %dma_start3A_111 = tpu.memref_slice %arg8[%dma_start3A_99, %dma_start3A_109, %dma_start3A_110] : memref<2x32x513xf32, #tpu.memory_space<vmem>> -> memref<1x32x513xf32, #tpu.memory_space<vmem>>
      %dma_start3A_112 = tpu.memref_squeeze %dma_start3A_111 : memref<1x32x513xf32, #tpu.memory_space<vmem>> -> memref<32x513xf32, #tpu.memory_space<vmem>>
      %dma_start3A_113 = arith.constant 0 : i32
      %dma_start3A_114 = arith.constant 0 : i32
      %dma_start3A_115 = tpu.memref_slice %dma_start3A_112[%dma_start3A_113, %dma_start3A_114] : memref<32x513xf32, #tpu.memory_space<vmem>> -> memref<32x512xf32, #tpu.memory_space<vmem>>
      tpu.enqueue_dma source(%dma_start3A_115 : memref<32x512xf32, #tpu.memory_space<vmem>>) target(%dma_start3A_108 : memref<32x512xf32, #tpu.memory_space<hbm>>) target_semaphore(%arg11 : memref<!tpu.dma_semaphore, #tpu.memory_space<semaphore_mem>>)
      %add3A_116 = arith.constant 2 : i32
      %add3A_117 = arith.addi %add3A_78, %add3A_116 : i32
      %lt3A = arith.constant 50 : i32
      %lt3A_118 = arith.cmpi slt, %add3A_117, %lt3A : i32
      %convert_element_type3A_119 = arith.extui %lt3A_118 : i1 to i32
      %cond3A_120 = arith.constant 0 : i32
      %cond3A_121 = arith.cmpi ne, %convert_element_type3A_119, %cond3A_120 : i32
      scf.if %cond3A_121 {
        %add3A_173 = arith.constant 2 : i32
        %add3A_174 = arith.addi %add3A_78, %add3A_173 : i32
        %mul3A_175 = arith.constant 512 : i32
        %mul3A_176 = arith.muli %add3A_174, %mul3A_175 : i32
        %dma_start3A_177 = arith.constant 0 : i32
        %dma_start3A_178 = arith.constant 0 : i32
        %dma_start3A_179 = arith.constant 0 : i32
        %dma_start3A_180 = tpu.memref_slice %arg7[%dma_start3A_177, %dma_start3A_178, %dma_start3A_179] : memref<2x512x32xf32, #tpu.memory_space<vmem>> -> memref<1x512x32xf32, #tpu.memory_space<vmem>>
        %dma_start3A_181 = tpu.memref_squeeze %dma_start3A_180 : memref<1x512x32xf32, #tpu.memory_space<vmem>> -> memref<512x32xf32, #tpu.memory_space<vmem>>
        %dma_start3A_182 = tpu.memref_slice %arg6[%mul3A_176] : memref<25600xi32, #tpu.memory_space<vmem>> -> memref<512xi32, #tpu.memory_space<vmem>>
        %dma_start3A_183 = arith.constant 0 : i32
        %dma_start3A_184 = arith.constant 0 : i32
        %dma_start3A_185 = tpu.memref_slice %arg2[%dma_start3A_183, %dma_start3A_184] : memref<1000000x32xf32, #tpu.memory_space<hbm>> -> memref<1000000x32xf32, #tpu.memory_space<hbm>>
        tpu.enqueue_indirect_dma source(%dma_start3A_185 : memref<1000000x32xf32, #tpu.memory_space<hbm>>) target(%dma_start3A_181 : memref<512x32xf32, #tpu.memory_space<vmem>>) offsets(%dma_start3A_182 : memref<512xi32, #tpu.memory_space<vmem>>) semaphore(%arg9 : memref<!tpu.dma_semaphore, #tpu.memory_space<semaphore_mem>>)
      } else {
      }
      %mul3A_122 = arith.constant 2 : i32
      %mul3A_123 = arith.muli %scan3A_74, %mul3A_122 : i32
      %add3A_124 = arith.constant 1 : i32
      %add3A_125 = arith.addi %mul3A_123, %add3A_124 : i32
      %mul3A_126 = arith.constant 512 : i32
      %mul3A_127 = arith.muli %add3A_125, %mul3A_126 : i32
      %dma_wait3A_128 = arith.constant 1 : i32
      %dma_wait3A_129 = arith.constant 0 : i32
      %dma_wait3A_130 = arith.constant 0 : i32
      %dma_wait3A_131 = tpu.memref_slice %arg7[%dma_wait3A_128, %dma_wait3A_129, %dma_wait3A_130] : memref<2x512x32xf32, #tpu.memory_space<vmem>> -> memref<1x512x32xf32, #tpu.memory_space<vmem>>
      %dma_wait3A_132 = tpu.memref_squeeze %dma_wait3A_131 : memref<1x512x32xf32, #tpu.memory_space<vmem>> -> memref<512x32xf32, #tpu.memory_space<vmem>>
      %dma_wait3A_133 = tpu.memref_slice %arg6[%mul3A_127] : memref<25600xi32, #tpu.memory_space<vmem>> -> memref<512xi32, #tpu.memory_space<vmem>>
      %dma_wait3A_134 = arith.constant 0 : i32
      %dma_wait3A_135 = arith.constant 0 : i32
      %dma_wait3A_136 = tpu.memref_slice %arg2[%dma_wait3A_134, %dma_wait3A_135] : memref<1000000x32xf32, #tpu.memory_space<hbm>> -> memref<1000000x32xf32, #tpu.memory_space<hbm>>
      tpu.wait_indirect_dma semaphore(%arg10 : memref<!tpu.dma_semaphore, #tpu.memory_space<semaphore_mem>>) src(%dma_wait3A_136 : memref<1000000x32xf32, #tpu.memory_space<hbm>>) dst(%dma_wait3A_132 : memref<512x32xf32, #tpu.memory_space<vmem>>)
      %ge3A_137 = arith.constant 2 : i32
      %ge3A_138 = arith.cmpi sge, %add3A_125, %ge3A_137 : i32
      %convert_element_type3A_139 = arith.extui %ge3A_138 : i1 to i32
      %cond3A_140 = arith.constant 0 : i32
      %cond3A_141 = arith.cmpi ne, %convert_element_type3A_139, %cond3A_140 : i32
      scf.if %cond3A_141 {
        %sub3A = arith.constant 2 : i32
        %sub3A_173 = arith.subi %add3A_125, %sub3A : i32
        %mul3A_174 = arith.constant 32 : i32
        %mul3A_175 = arith.muli %sub3A_173, %mul3A_174 : i32
        %dma_wait3A_176 = arith.constant 1 : i32
        %dma_wait3A_177 = arith.constant 0 : i32
        %dma_wait3A_178 = arith.constant 0 : i32
        %dma_wait3A_179 = tpu.memref_slice %arg8[%dma_wait3A_176, %dma_wait3A_177, %dma_wait3A_178] : memref<2x32x513xf32, #tpu.memory_space<vmem>> -> memref<1x32x513xf32, #tpu.memory_space<vmem>>
        %dma_wait3A_180 = tpu.memref_squeeze %dma_wait3A_179 : memref<1x32x513xf32, #tpu.memory_space<vmem>> -> memref<32x513xf32, #tpu.memory_space<vmem>>
        %dma_wait3A_181 = arith.constant 0 : i32
        %dma_wait3A_182 = arith.constant 0 : i32
        %dma_wait3A_183 = tpu.memref_slice %dma_wait3A_180[%dma_wait3A_181, %dma_wait3A_182] : memref<32x513xf32, #tpu.memory_space<vmem>> -> memref<32x512xf32, #tpu.memory_space<vmem>>
        %dma_wait3A_184 = tpu.memref_slice %arg4[%mul3A_175, %mul3A_4] : memref<1600x16384xf32, #tpu.memory_space<hbm>> -> memref<32x512xf32, #tpu.memory_space<hbm>>
        %dma_wait3A_185 = tpu.memref_slice %arg4[%mul3A_175, %mul3A_4] : memref<1600x16384xf32, #tpu.memory_space<hbm>> -> memref<32x512xf32, #tpu.memory_space<hbm>>
        %dma_wait3A_186 = arith.constant 0 : i32
        %dma_wait3A_187 = arith.constant 0 : i32
        %dma_wait3A_188 = tpu.memref_slice %arg8[%dma_wait3A_176, %dma_wait3A_186, %dma_wait3A_187] : memref<2x32x513xf32, #tpu.memory_space<vmem>> -> memref<1x32x513xf32, #tpu.memory_space<vmem>>
        %dma_wait3A_189 = tpu.memref_squeeze %dma_wait3A_188 : memref<1x32x513xf32, #tpu.memory_space<vmem>> -> memref<32x513xf32, #tpu.memory_space<vmem>>
        %dma_wait3A_190 = arith.constant 0 : i32
        %dma_wait3A_191 = arith.constant 0 : i32
        %dma_wait3A_192 = tpu.memref_slice %dma_wait3A_189[%dma_wait3A_190, %dma_wait3A_191] : memref<32x513xf32, #tpu.memory_space<vmem>> -> memref<32x512xf32, #tpu.memory_space<vmem>>
        tpu.wait_dma2 semaphore(%arg12 : memref<!tpu.dma_semaphore, #tpu.memory_space<semaphore_mem>>) src(%dma_wait3A_192 : memref<32x512xf32, #tpu.memory_space<vmem>>) dst(%dma_wait3A_185 : memref<32x512xf32, #tpu.memory_space<hbm>>)
      } else {
      }
      %parallel_loop3A_142 = arith.constant 0 : i32
      %parallel_loop3A_143 = arith.constant 512 : i32
      %parallel_loop3A_144 = arith.constant 1 : i32
      %parallel_loop3A_145 = arith.constant 1 : i32
      %parallel_loop3A_146 = arith.constant 1 : i32
      scf.for %parallel_loop3A_173 = %parallel_loop3A_142 to %parallel_loop3A_143 step %parallel_loop3A_144  : i32 {
        %parallel_loop3A_174 = arith.constant 0 : i32
        %parallel_loop3A_175 = arith.constant 0 : i32
        %parallel_loop3A_176 = tpu.memref_slice %arg7[%parallel_loop3A_145, %parallel_loop3A_174, %parallel_loop3A_175] : memref<2x512x32xf32, #tpu.memory_space<vmem>> -> memref<1x512x32xf32, #tpu.memory_space<vmem>>
        %parallel_loop3A_177 = tpu.memref_squeeze %parallel_loop3A_176 : memref<1x512x32xf32, #tpu.memory_space<vmem>> -> memref<512x32xf32, #tpu.memory_space<vmem>>
        %parallel_loop3A_178 = arith.index_cast %parallel_loop3A_173 : i32 to index
        %parallel_loop3A_179 = arith.constant 0 : index
        %parallel_loop3A_180 = tpu.vector_load %parallel_loop3A_177[%parallel_loop3A_178, %parallel_loop3A_179] {strides = array<i32>} : memref<512x32xf32, #tpu.memory_space<vmem>>, vector<16xf32>,
        %parallel_loop3A_181 = arith.constant 0 : i32
        %parallel_loop3A_182 = arith.constant 0 : i32
        %parallel_loop3A_183 = tpu.memref_slice %arg7[%parallel_loop3A_145, %parallel_loop3A_181, %parallel_loop3A_182] : memref<2x512x32xf32, #tpu.memory_space<vmem>> -> memref<1x512x32xf32, #tpu.memory_space<vmem>>
        %parallel_loop3A_184 = tpu.memref_squeeze %parallel_loop3A_183 : memref<1x512x32xf32, #tpu.memory_space<vmem>> -> memref<512x32xf32, #tpu.memory_space<vmem>>
        %parallel_loop3A_185 = arith.index_cast %parallel_loop3A_173 : i32 to index
        %parallel_loop3A_186 = arith.constant 16 : index
        %parallel_loop3A_187 = tpu.vector_load %parallel_loop3A_184[%parallel_loop3A_185, %parallel_loop3A_186] {strides = array<i32>} : memref<512x32xf32, #tpu.memory_space<vmem>>, vector<16xf32>,
        %parallel_loop3A_188 = arith.constant 0 : i32
        %parallel_loop3A_189 = vector.broadcast %parallel_loop3A_188 : i32 to vector<16xi32>
        %parallel_loop3A_190 = vector.broadcast %parallel_loop3A_173 : i32 to vector<16xi32>
        %parallel_loop3A_191 = arith.addi %parallel_loop3A_189, %parallel_loop3A_190 : vector<16xi32>
        %parallel_loop3A_192 = arith.constant 0 : i32
        %parallel_loop3A_193 = arith.constant 0 : i32
        %parallel_loop3A_194 = tpu.memref_slice %arg8[%parallel_loop3A_146, %parallel_loop3A_192, %parallel_loop3A_193] : memref<2x32x513xf32, #tpu.memory_space<vmem>> -> memref<1x32x513xf32, #tpu.memory_space<vmem>>
        %parallel_loop3A_195 = tpu.memref_squeeze %parallel_loop3A_194 : memref<1x32x513xf32, #tpu.memory_space<vmem>> -> memref<32x513xf32, #tpu.memory_space<vmem>>
        tpu.vector_store_idx %parallel_loop3A_195[%iota3A, %parallel_loop3A_191], %parallel_loop3A_180 : memref<32x513xf32, #tpu.memory_space<vmem>>[vector<16xi32>, vector<16xi32>], vector<16xf32>,
        %parallel_loop3A_196 = arith.constant 0 : i32
        %parallel_loop3A_197 = arith.constant 0 : i32
        %parallel_loop3A_198 = tpu.memref_slice %arg8[%parallel_loop3A_146, %parallel_loop3A_196, %parallel_loop3A_197] : memref<2x32x513xf32, #tpu.memory_space<vmem>> -> memref<1x32x513xf32, #tpu.memory_space<vmem>>
        %parallel_loop3A_199 = tpu.memref_squeeze %parallel_loop3A_198 : memref<1x32x513xf32, #tpu.memory_space<vmem>> -> memref<32x513xf32, #tpu.memory_space<vmem>>
        tpu.vector_store_idx %parallel_loop3A_199[%add3A_7, %parallel_loop3A_191], %parallel_loop3A_187 : memref<32x513xf32, #tpu.memory_space<vmem>>[vector<16xi32>, vector<16xi32>], vector<16xf32>,
      } {sc.loop_unroll_factor = 4 : i64, sc.parallel_access}
      %mul3A_147 = arith.constant 32 : i32
      %mul3A_148 = arith.muli %add3A_125, %mul3A_147 : i32
      %dma_start3A_149 = arith.constant 1 : i32
      %dma_start3A_150 = arith.constant 0 : i32
      %dma_start3A_151 = arith.constant 0 : i32
      %dma_start3A_152 = tpu.memref_slice %arg8[%dma_start3A_149, %dma_start3A_150, %dma_start3A_151] : memref<2x32x513xf32, #tpu.memory_space<vmem>> -> memref<1x32x513xf32, #tpu.memory_space<vmem>>
      %dma_start3A_153 = tpu.memref_squeeze %dma_start3A_152 : memref<1x32x513xf32, #tpu.memory_space<vmem>> -> memref<32x513xf32, #tpu.memory_space<vmem>>
      %dma_start3A_154 = arith.constant 0 : i32
      %dma_start3A_155 = arith.constant 0 : i32
      %dma_start3A_156 = tpu.memref_slice %dma_start3A_153[%dma_start3A_154, %dma_start3A_155] : memref<32x513xf32, #tpu.memory_space<vmem>> -> memref<32x512xf32, #tpu.memory_space<vmem>>
      %dma_start3A_157 = tpu.memref_slice %arg4[%mul3A_148, %mul3A_4] : memref<1600x16384xf32, #tpu.memory_space<hbm>> -> memref<32x512xf32, #tpu.memory_space<hbm>>
      %dma_start3A_158 = tpu.memref_slice %arg4[%mul3A_148, %mul3A_4] : memref<1600x16384xf32, #tpu.memory_space<hbm>> -> memref<32x512xf32, #tpu.memory_space<hbm>>
      %dma_start3A_159 = arith.constant 0 : i32
      %dma_start3A_160 = arith.constant 0 : i32
      %dma_start3A_161 = tpu.memref_slice %arg8[%dma_start3A_149, %dma_start3A_159, %dma_start3A_160] : memref<2x32x513xf32, #tpu.memory_space<vmem>> -> memref<1x32x513xf32, #tpu.memory_space<vmem>>
      %dma_start3A_162 = tpu.memref_squeeze %dma_start3A_161 : memref<1x32x513xf32, #tpu.memory_space<vmem>> -> memref<32x513xf32, #tpu.memory_space<vmem>>
      %dma_start3A_163 = arith.constant 0 : i32
      %dma_start3A_164 = arith.constant 0 : i32
      %dma_start3A_165 = tpu.memref_slice %dma_start3A_162[%dma_start3A_163, %dma_start3A_164] : memref<32x513xf32, #tpu.memory_space<vmem>> -> memref<32x512xf32, #tpu.memory_space<vmem>>
      tpu.enqueue_dma source(%dma_start3A_165 : memref<32x512xf32, #tpu.memory_space<vmem>>) target(%dma_start3A_158 : memref<32x512xf32, #tpu.memory_space<hbm>>) target_semaphore(%arg12 : memref<!tpu.dma_semaphore, #tpu.memory_space<semaphore_mem>>)
      %add3A_166 = arith.constant 2 : i32
      %add3A_167 = arith.addi %add3A_125, %add3A_166 : i32
      %lt3A_168 = arith.constant 50 : i32
      %lt3A_169 = arith.cmpi slt, %add3A_167, %lt3A_168 : i32
      %convert_element_type3A_170 = arith.extui %lt3A_169 : i1 to i32
      %cond3A_171 = arith.constant 0 : i32
      %cond3A_172 = arith.cmpi ne, %convert_element_type3A_170, %cond3A_171 : i32
      scf.if %cond3A_172 {
        %add3A_173 = arith.constant 2 : i32
        %add3A_174 = arith.addi %add3A_125, %add3A_173 : i32
        %mul3A_175 = arith.constant 512 : i32
        %mul3A_176 = arith.muli %add3A_174, %mul3A_175 : i32
        %dma_start3A_177 = arith.constant 1 : i32
        %dma_start3A_178 = arith.constant 0 : i32
        %dma_start3A_179 = arith.constant 0 : i32
        %dma_start3A_180 = tpu.memref_slice %arg7[%dma_start3A_177, %dma_start3A_178, %dma_start3A_179] : memref<2x512x32xf32, #tpu.memory_space<vmem>> -> memref<1x512x32xf32, #tpu.memory_space<vmem>>
        %dma_start3A_181 = tpu.memref_squeeze %dma_start3A_180 : memref<1x512x32xf32, #tpu.memory_space<vmem>> -> memref<512x32xf32, #tpu.memory_space<vmem>>
        %dma_start3A_182 = tpu.memref_slice %arg6[%mul3A_176] : memref<25600xi32, #tpu.memory_space<vmem>> -> memref<512xi32, #tpu.memory_space<vmem>>
        %dma_start3A_183 = arith.constant 0 : i32
        %dma_start3A_184 = arith.constant 0 : i32
        %dma_start3A_185 = tpu.memref_slice %arg2[%dma_start3A_183, %dma_start3A_184] : memref<1000000x32xf32, #tpu.memory_space<hbm>> -> memref<1000000x32xf32, #tpu.memory_space<hbm>>
        tpu.enqueue_indirect_dma source(%dma_start3A_185 : memref<1000000x32xf32, #tpu.memory_space<hbm>>) target(%dma_start3A_181 : memref<512x32xf32, #tpu.memory_space<vmem>>) offsets(%dma_start3A_182 : memref<512xi32, #tpu.memory_space<vmem>>) semaphore(%arg10 : memref<!tpu.dma_semaphore, #tpu.memory_space<semaphore_mem>>)
      } else {
      }
    }
    %scan3A_36 = arith.constant 25 : i32
    %dma_wait3A = arith.constant 0 : i32
    %dma_wait3A_37 = arith.constant 0 : i32
    %dma_wait3A_38 = arith.constant 0 : i32
    %dma_wait3A_39 = tpu.memref_slice %arg8[%dma_wait3A, %dma_wait3A_37, %dma_wait3A_38] : memref<2x32x513xf32, #tpu.memory_space<vmem>> -> memref<1x32x513xf32, #tpu.memory_space<vmem>>
    %dma_wait3A_40 = tpu.memref_squeeze %dma_wait3A_39 : memref<1x32x513xf32, #tpu.memory_space<vmem>> -> memref<32x513xf32, #tpu.memory_space<vmem>>
    %dma_wait3A_41 = arith.constant 0 : i32
    %dma_wait3A_42 = arith.constant 0 : i32
    %dma_wait3A_43 = tpu.memref_slice %dma_wait3A_40[%dma_wait3A_41, %dma_wait3A_42] : memref<32x513xf32, #tpu.memory_space<vmem>> -> memref<32x512xf32, #tpu.memory_space<vmem>>
    %dma_wait3A_44 = arith.constant 1536 : i32
    %dma_wait3A_45 = tpu.memref_slice %arg4[%dma_wait3A_44, %mul3A_4] : memref<1600x16384xf32, #tpu.memory_space<hbm>> -> memref<32x512xf32, #tpu.memory_space<hbm>>
    %dma_wait3A_46 = arith.constant 1536 : i32
    %dma_wait3A_47 = tpu.memref_slice %arg4[%dma_wait3A_46, %mul3A_4] : memref<1600x16384xf32, #tpu.memory_space<hbm>> -> memref<32x512xf32, #tpu.memory_space<hbm>>
    %dma_wait3A_48 = arith.constant 0 : i32
    %dma_wait3A_49 = arith.constant 0 : i32
    %dma_wait3A_50 = tpu.memref_slice %arg8[%dma_wait3A, %dma_wait3A_48, %dma_wait3A_49] : memref<2x32x513xf32, #tpu.memory_space<vmem>> -> memref<1x32x513xf32, #tpu.memory_space<vmem>>
    %dma_wait3A_51 = tpu.memref_squeeze %dma_wait3A_50 : memref<1x32x513xf32, #tpu.memory_space<vmem>> -> memref<32x513xf32, #tpu.memory_space<vmem>>
    %dma_wait3A_52 = arith.constant 0 : i32
    %dma_wait3A_53 = arith.constant 0 : i32
    %dma_wait3A_54 = tpu.memref_slice %dma_wait3A_51[%dma_wait3A_52, %dma_wait3A_53] : memref<32x513xf32, #tpu.memory_space<vmem>> -> memref<32x512xf32, #tpu.memory_space<vmem>>
    tpu.wait_dma2 semaphore(%arg11 : memref<!tpu.dma_semaphore, #tpu.memory_space<semaphore_mem>>) src(%dma_wait3A_54 : memref<32x512xf32, #tpu.memory_space<vmem>>) dst(%dma_wait3A_47 : memref<32x512xf32, #tpu.memory_space<hbm>>)
    %dma_wait3A_55 = arith.constant 1 : i32
    %dma_wait3A_56 = arith.constant 0 : i32
    %dma_wait3A_57 = arith.constant 0 : i32
    %dma_wait3A_58 = tpu.memref_slice %arg8[%dma_wait3A_55, %dma_wait3A_56, %dma_wait3A_57] : memref<2x32x513xf32, #tpu.memory_space<vmem>> -> memref<1x32x513xf32, #tpu.memory_space<vmem>>
    %dma_wait3A_59 = tpu.memref_squeeze %dma_wait3A_58 : memref<1x32x513xf32, #tpu.memory_space<vmem>> -> memref<32x513xf32, #tpu.memory_space<vmem>>
    %dma_wait3A_60 = arith.constant 0 : i32
    %dma_wait3A_61 = arith.constant 0 : i32
    %dma_wait3A_62 = tpu.memref_slice %dma_wait3A_59[%dma_wait3A_60, %dma_wait3A_61] : memref<32x513xf32, #tpu.memory_space<vmem>> -> memref<32x512xf32, #tpu.memory_space<vmem>>
    %dma_wait3A_63 = arith.constant 1568 : i32
    %dma_wait3A_64 = tpu.memref_slice %arg4[%dma_wait3A_63, %mul3A_4] : memref<1600x16384xf32, #tpu.memory_space<hbm>> -> memref<32x512xf32, #tpu.memory_space<hbm>>
    %dma_wait3A_65 = arith.constant 1568 : i32
    %dma_wait3A_66 = tpu.memref_slice %arg4[%dma_wait3A_65, %mul3A_4] : memref<1600x16384xf32, #tpu.memory_space<hbm>> -> memref<32x512xf32, #tpu.memory_space<hbm>>
    %dma_wait3A_67 = arith.constant 0 : i32
    %dma_wait3A_68 = arith.constant 0 : i32
    %dma_wait3A_69 = tpu.memref_slice %arg8[%dma_wait3A_55, %dma_wait3A_67, %dma_wait3A_68] : memref<2x32x513xf32, #tpu.memory_space<vmem>> -> memref<1x32x513xf32, #tpu.memory_space<vmem>>
    %dma_wait3A_70 = tpu.memref_squeeze %dma_wait3A_69 : memref<1x32x513xf32, #tpu.memory_space<vmem>> -> memref<32x513xf32, #tpu.memory_space<vmem>>
    %dma_wait3A_71 = arith.constant 0 : i32
    %dma_wait3A_72 = arith.constant 0 : i32
    %dma_wait3A_73 = tpu.memref_slice %dma_wait3A_70[%dma_wait3A_71, %dma_wait3A_72] : memref<32x513xf32, #tpu.memory_space<vmem>> -> memref<32x512xf32, #tpu.memory_space<vmem>>
    tpu.wait_dma2 semaphore(%arg12 : memref<!tpu.dma_semaphore, #tpu.memory_space<semaphore_mem>>) src(%dma_wait3A_73 : memref<32x512xf32, #tpu.memory_space<vmem>>) dst(%dma_wait3A_66 : memref<32x512xf32, #tpu.memory_space<hbm>>)
    return
  }
}

</mosaic_0001>

<sc_bundles>
// kernel: kernel.3.cloned.1.call-start
scs
__scs_entry_jumppad:
0x0: {  	(pc) =	sbr.rel $0x88, $3  }
0x1: {  	(tag) =	ssettag $0x0;
	lr =	simm.s32 $0x1  }
0x2: {  	[smem:$0x3F9F] =	sst lr;
	_ =	strace $0xD0000000  }
0x3: {  	_ = 	snop  }
0x4: {  	_ = 	snop  }
0x5: {  	_ = 	snop  }
0x6: {  	_ = 	snop  }
0x7: {  	_ = 	snop  }
__scs_overlays_trampoline_lowered:
0x8: {  	[smem:$0x3FAE] =	sst s0  }
0x9: {  	[smem:$0x3FAF] =	sst s1  }
0xa: {  	[smem:$0x3FB0] =	sst s2  }
0xb: {  	[smem:$0x3FB1] =	sst s3  }
0xc: {  	[smem:$0x3FB2] =	sst s4  }
0xd: {  	[smem:$0x3FB3] =	sst s5  }
0xe: {  	[smem:$0x3FB4] =	sst s6  }
0xf: {  	[smem:$0x3FB5] =	sst s7  }
0x10: {  	[smem:$0x3FB6] =	sst s8  }
0x11: {  	[smem:$0x3FB7] =	sst s9;
	s0 =	simm.s32 @!p0 $0x0  }
0x12: {  	s1 =	sld [smem:$0x3F9D];
	s0 =	simm.s32 @p0 $0x1  }
0x13: {  	[smem:$0x3FB8] =	sst s0;
	s0 =	simm.s32 @!p1 $0x0  }
0x14: {  	s2 =	sld [smem:$0x3F9C];
	s0 =	simm.s32 @p1 $0x1  }
0x15: {  	[smem:$0x3FB9] =	sst s0;
	s0 =	simm.s32 @!p2 $0x0  }
0x16: {  	s3 =	sld [smem:$0x3FDB];
	s0 =	simm.s32 @p2 $0x1  }
0x17: {  	s4 =	simm.s32 $0x1BF5;
	[smem:$0x3FBB] =	sst s0  }
0x18: {  	s0 =	sld [smem:$0x3F9E];
	_ =	swait.ge [sflag:s4], $0x0  }
0x19: {  	s7 =	sld [smem:$0x3F9F]  }
0x1a: {  	s8 =	sadd.s32 $0xFFFFE003, lr  }
0x1b: {  	s9 =	sadd.s32 $0xFFFFFEF7, lr;
	s5 =	simm.s32 $0xFFFFFFFF;
	p2 =	slt.u32 s8, $0xFFFFF086  }
0x1c: {  	p1 =	slt.u32 s9, $0xF7A;
	s5 =	simm.s32 @!p2 $0x0  }
0x1d: {  	s5 =	simm.s32 @p1 $0x1;
	p0 =	seq.s32 s7, s2  }
0x1e: {  	s7 =	smul.u32 @!p0 $0xF7A, s2;
	p2 =	seq.s32 @!p0 s5, $0x0  }
0x1f: {  	s9 =	smul.u32 $0xF7A, s1;
	s8 =	simm.s32 @!p0 $0x1BF5;
	p2 =	por !p2, p0  }
0x20: {  	[sflag:s8] =	ssyncset.s32 @!p0 $0xFFFFF086;
	s6 =	sadd.s32 @!p0 s3, s7;
	s7 =	simm.s32 @!p0 $0x108  }
0x21: {  	s3 =	sadd.s32 s3, s9;
	s6 =	sadd.s32 @!p0 $0x88, s6;
	s7 =	simm.s32 @p2 $0x1082  }
0x22: {  	[simem:s7], [sflag:s8] =	dma.local @!p0 [hbm:s6], $0xF7A  }
0x23: {  	s9 =	sor.u32 $0xD0000000, s2;
	s6 =	simm.s32 $0x108;
	_ =	swait.ge @!p0 [sflag:s8], $0x0  }
0x24: {  	s3 =	sadd.s32 $0x88, s3;
	s6 =	simm.s32 @!p1 $0x1082;
	[sflag:s4] =	ssyncset.s32 $0xFFFFF086  }
0x25: {  	[simem:s6], [sflag:s4] =	dma.local [hbm:s3], $0xF7A  }
0x26: {  	[smem:$0x3F9F] =	sst s1;
	(tag) =	ssettag s2;
	_ =	strace s9  }
0x27: {  	s1 =	sld [smem:$0x3FAF]  }
0x28: {  	s2 =	sld [smem:$0x3FB0]  }
0x29: {  	s4 =	sld [smem:$0x3FB2]  }
0x2a: {  	p0 =	seq.s32 s5, $0x0;
	s5 =	sld [smem:$0x3FB3]  }
0x2b: {  	s6 =	sld [smem:$0x3FB4]  }
0x2c: {  	s7 =	sld [smem:$0x3FB5]  }
0x2d: {  	s3 =	simm.s32 $0x108;
	s8 =	sld [smem:$0x3FB6]  }
0x2e: {  	s3 =	simm.s32 @!p0 $0x1082;
	s9 =	sld [smem:$0x3FB7]  }
0x2f: {  	lr =	sadd.s32 s0, s3;
	s0 =	sld [smem:$0x3FAE]  }
0x30: {  	s3 =	sld [smem:$0x3FB1]  }
0x31: {  	[smem:$0x3FBA] =	sst s10  }
0x32: {  	s10 =	sld [smem:$0x3FB8];
	_ =	sdelay $0x3  }
0x33: {  	p0 =	seq.s32 s10, $0x1;
	s10 =	sld [smem:$0x3FBA];
	_ =	sdelay $0x3  }
0x34: {  	[smem:$0x3FBA] =	sst s10  }
0x35: {  	s10 =	sld [smem:$0x3FB9];
	_ =	sdelay $0x3  }
0x36: {  	p1 =	seq.s32 s10, $0x1;
	s10 =	sld [smem:$0x3FBA];
	_ =	sdelay $0x3  }
0x37: {  	[smem:$0x3FBA] =	sst s10  }
0x38: {  	s10 =	sld [smem:$0x3FBB]  }
0x39: {  	_ = 	snop;
	(pc) =	sbr.ind lr, $3  }
0x3a: {  	_ = 	snop  }
0x3b: {  	_ = 	snop  }
0x3c: {  	p2 =	seq.s32 s10, $0x1;
	s10 =	sld [smem:$0x3FBA]  }
0x3d: {  	_ =	shalt  }
0x3e: {  	_ =	shalt  }
0x3f: {  	_ =	shalt  }
0x40: {  	_ =	shalt  }
0x41: {  	_ =	shalt  }
0x42: {  	_ =	shalt  }
0x43: {  	_ =	shalt  }
0x44: {  	_ =	shalt  }
0x45: {  	_ =	shalt  }
0x46: {  	_ =	shalt  }
0x47: {  	_ =	shalt  }
0x48: {  	_ =	shalt  }
0x49: {  	_ =	shalt  }
0x4a: {  	_ =	shalt  }
0x4b: {  	_ =	shalt  }
0x4c: {  	_ =	shalt  }
0x4d: {  	_ =	shalt  }
0x4e: {  	_ =	shalt  }
0x4f: {  	_ =	shalt  }
0x50: {  	_ =	shalt  }
0x51: {  	_ =	shalt  }
0x52: {  	_ =	shalt  }
0x53: {  	_ =	shalt  }
0x54: {  	_ =	shalt  }
0x55: {  	_ =	shalt  }
0x56: {  	_ =	shalt  }
0x57: {  	_ =	shalt  }
0x58: {  	_ =	shalt  }
0x59: {  	_ =	shalt  }
0x5a: {  	_ =	shalt  }
0x5b: {  	_ =	shalt  }
0x5c: {  	_ =	shalt  }
0x5d: {  	_ =	shalt  }
0x5e: {  	_ =	shalt  }
0x5f: {  	_ =	shalt  }
0x60: {  	_ =	shalt  }
0x61: {  	_ =	shalt  }
0x62: {  	_ =	shalt  }
0x63: {  	_ =	shalt  }
0x64: {  	_ =	shalt  }
0x65: {  	_ =	shalt  }
0x66: {  	_ =	shalt  }
0x67: {  	_ =	shalt  }
0x68: {  	_ =	shalt  }
0x69: {  	_ =	shalt  }
0x6a: {  	_ =	shalt  }
0x6b: {  	_ =	shalt  }
0x6c: {  	_ =	shalt  }
0x6d: {  	_ =	shalt  }
0x6e: {  	_ =	shalt  }
0x6f: {  	_ =	shalt  }
0x70: {  	_ =	shalt  }
0x71: {  	_ =	shalt  }
0x72: {  	_ =	shalt  }
0x73: {  	_ =	shalt  }
0x74: {  	_ =	shalt  }
0x75: {  	_ =	shalt  }
0x76: {  	_ =	shalt  }
0x77: {  	_ =	shalt  }
0x78: {  	_ =	shalt  }
0x79: {  	_ =	shalt  }
0x7a: {  	_ =	shalt  }
0x7b: {  	_ =	shalt  }
0x7c: {  	_ =	shalt  }
0x7d: {  	_ =	shalt  }
0x7e: {  	_ =	shalt  }
0x7f: {  	_ =	shalt  }
0x80: {  	_ =	shalt  }
0x81: {  	_ =	shalt  }
0x82: {  	_ =	shalt  }
0x83: {  	_ =	shalt  }
0x84: {  	_ =	shalt  }
0x85: {  	_ =	shalt  }
0x86: {  	_ =	shalt  }
0x87: {  	_ =	shalt  }
.Lfunc_end0:
.L_simem_size_0:
called_computation_lowered:
.L_overlay_start_0:
0x88: {  	s2 =	sld [smem:$0x3FD9]  }
0x89: {  	s3 =	sld [smem:$0x3FFE];
	_ =	sdelay $0x1  }
0x8a: {  	s1 =	srdreg.scid  }
0x8b: {  	s0 =	sand.u32 $0x1, s1  }
0x8c: {  	s17 =	sshll.u32 s0, $0xA;
	s2 =	sadd.s32 s3, s2  }
0x8d: {  	s2 =	sadd.s32 s2, s17  }
0x8e: {  	[smem:$0x3FC6] =	sst s2  }
0x8f: {  	_ = 	snop  }
0x90: {  	s2 =	sld [smem:$0x3FD0];
	(tm) =	ssettm $0x1  }
0x91: {  	s18 =	sld [smem:$0x3FFB];
	_ =	sdelay $0x3  }
0x92: {  	_ =	strace s18  }
0x93: {  	s3 =	sld [smem:$0x3FFC];
	_ =	sdelay $0x3  }
0x94: {  	_ =	strace s3  }
0x95: {  	s3 =	sld [smem:$0x3FFD];
	_ =	sdelay $0x3  }
0x96: {  	_ =	strace s3  }
0x97: {  	_ =	strace $0x8FFFFFFF  }
0x98: {  	s19 =	sld [smem:$0x3FDB];
	_ =	sdelay $0x1  }
0x99: {  	s4 =	simm.s32 $_scs_section_size  }
0x9a: {  	s5 =	simm.s32 $_size__tile_overlayer_lowered;
	s6 =	simm.s32 $_tile_overlayer_lowered  }
0x9b: {  	s22 =	simm.s32 $0x1BFF;
	s21 =	sshll.u32 s6, $0x1;
	s3 =	sadd.s32 s4, s19  }
0x9c: {  	s7 =	simm.s32 $0x0;
	s20 =	sshll.u32 s5, $0x1;
	s5 =	sadd.s32 s21, s3  }
0x9d: {  	[timem:s7], [sflag:s22] =	dma.local [hbm:s5], s20  }
0x9e: {  	_ =	swait.ge [sflag:s22], s20  }
0x9f: {  	s4 =	ssub.s32 $0x0, s20;
	[sflag:s22] =	ssyncset.done $0x0  }
0xa0: {  	[sflag:s22] =	ssyncadd.s32 s4;
	_ =	sdelay $0x1  }
0xa1: {  	s23 =	simm.s32 $0x1B8B  }
0xa2: {  	_ =	swait.ge [sflag:s23], $0x1  }
0xa3: {  	[sflag:s23] =	ssyncset.done $0x0  }
0xa4: {  	s25 =	simm.s32 $0x1B8E;
	s24 =	sld [smem:$0x3FFE];
	[sflag:s23] =	ssyncadd.s32 $0xFFFFFFFF  }
0xa5: {  	s26 =	simm.s32 $execute0_lowered;
	[smem:$0x3FD2] =	sst s25  }
0xa6: {  	s5 =	sshll.u32 s26, $0x1;
	_ =	strace $0x80000046;
	[dreg:$0x1] =	wrdreg $0xFFFFFFFF  }
0xa7: {  	s28 =	simm.s32 $_size_execute0_lowered;
	s3 =	sadd.s32 s3, s5;
	[dreg:$0x0] =	wrdreg $0x0  }
0xa8: {  	s5 =	sshll.u32 s28, $0x1;
	[dreg:$0x2] =	wrdreg s3  }
0xa9: {  	[dreg:$0x3] =	wrdreg s5  }
0xaa: {  	[dreg:$0x4] =	wrdreg $0xC0  }
0xab: {  	_ =	task [dreg:s7], $0x5FFFF  }
0xac: {  	[dreg:$0x1] =	wrdreg $0xFFFFFFFF  }
0xad: {  	[dreg:$0x0] =	wrdreg $0x60  }
0xae: {  	[dreg:$0x2] =	wrdreg s24  }
0xaf: {  	[dreg:$0x3] =	wrdreg s2  }
0xb0: {  	[dreg:$0x4] =	wrdreg $0x9  }
0xb1: {  	_ =	task.clear_ibuf [dreg:s7], $0x5FFFF;
	_ =	strace $0x90000046  }
0xb2: {  	s29 =	simm.s32 $0x9;
	_ =	strace $0x80000048  }
0xb3: {  	_ =	swait.ge [sflag:s29], $0x1  }
0xb4: {  	[sflag:s29] =	ssyncadd.s32 $0xFFFFFFFF  }
0xb5: {  	_ =	strace $0x90000048  }
0xb6: {  	_ =	sfence  }
0xb7: {  	s30 =	sld [smem:$0x0];
	_ =	sdelay $0x2  }
0xb8: {  	s31 =	sshll.u32 s1, $0xD;
	s1 =	sshrl.u32 s1, $0x2  }
0xb9: {  	s3 =	sand.u32 $0x4000, s31;
	s1 =	sadd.s32 s1, s30  }
0xba: {  	s0 =	sor.u32 s3, s0;
	s1 =	sshll.u32 s1, $0x11  }
0xbb: {  	s0 =	sor.u32 s1, s0  }
0xbc: {  	s0 =	sadd.s32 $0x8F2B, s0  }
0xbd: {  	[sflag:s0] =	ssyncadd.remote.s32 $0x1  }
0xbe: {  	_ =	sfence.sel $0xFFFF  }
0xbf: {  	[dreg:$0x0] =	wrdreg $0xFFFFFFFF;
	(pc) =	sbr.abs _section_cstart, $3  }
0xc0: {  	[dreg:$0x1] =	wrdreg $0xFFFFFFFF  }
0xc1: {  	_ =	task.clear_ibuf [dreg:s7], $0x2FFFF;
	_ =	strace $0x9FFFFFFF  }
0xc2: {  	(tm) =	ssettm $0x7FFFFFFF  }
0xc3: {  	_ =	shalt  }
tec
execute0_lowered:
.L_overlay_start_1:
0x0: {  	(tag) =	ssettag $0x1  }
0x1: {  	s0 =	rddreg [dreg:$0x0]  }
0x2: {  	s1 =	rddreg [dreg:$0x1]  }
0x3: {  	s3 =	srdreg.scid;
	s4 =	stileid.u32  }
0x4: {  	s2 =	simm.s32 $0x0;
	s9 =	simm.s32 $0x5;
	s10 =	simm.s32 $0x200  }
0x5: {  	s12 =	simm.s32 $0xC800;
	s14 =	simm.s32 $0x10800;
	s15 =	simm.s32 $0x1  }
0x6: {  	s16 =	simm.s32 $0x14800;
	s3 =	sand.u32 $0x1, s3;
	s4 =	sshll.u32 s4, $0x1  }
0x7: {  	s17 =	simm.s32 $0x2;
	s18 =	simm.s32 $0x4;
	s6 =	sor.u32 s3, s4  }
0x8: {  	s19 =	simm.s32 $0x18900;
	s20 =	simm.s32 $0x3;
	s7 =	smul.u32 $0xC80, s6  }
.Ltmp0:
0x9: {  	[smem:$0x7FF] =	sst s2;
	s5 =	ssub.s32 $0x2, s3;
	(pc) =	sbr.rel .LBB2_1-.Ltmp0, $4  }
0xa: {  	v1 =	vlaneseq.u32;
	s21 =	simm.s32 $0x0;
	_ =	strace $0x80000047;
	s8 =	sshrl.u32 s5, $0x1  }
0xb: {  	v0 =	vmul.u32 $0x208, v1;
	s3 =	sadd.s32 $0xF42A00, s0;
	s8 =	ssub.s32 s5, s8;
	s1 =	sadd.s32 s1, s7  }
0xc: {  	s4 =	sadd.s32 $0x600, s0;
	s31 =	smax.u32 s8, $0x1;
	[dreg:$0x3] =	wrdreg s1  }
0xd: {  	v1 =	vmul.u32 $0x32, v1;
	s6 =	sshll.u32 s6, $0x6;
	v2 =	vadd.s32 $0x2080, v0;
	s7 =	sadd.s32 $0x10600, s0;
	[dreg:$0x4] =	wrdreg s31  }
.LBB2_18:
0xe: {  	_ =	swait.ge [sflag:s20], $0x4000  }
0xf: {  	[sflag:s20] =	ssyncset.done $0x0  }
0x10: {  	[sflag:s20] =	ssyncadd.s32 $0xFFFFC000  }
0x11: {  	_ =	swait.ge [sflag:s18], $0x4000  }
0x12: {  	s21 =	sadd.s32 $0x1, s21;
	s0 =	rddreg [dreg:$0x4]  }
0x13: {  	p0 =	sne.s32 s21, s0  }
.Ltmp1:
0x14: {  	_ = 	snop;
	(pc) =	sbr.rel @!p0 .LBB2_19-.Ltmp1, $3  }
0x15: {  	_ =	sdelay $0x1  }
0x16: {  	[sflag:s18] =	ssyncset.done $0x0  }
0x17: {  	[sflag:s18] =	ssyncadd.s32 $0xFFFFC000  }
.LBB2_1:
0x18: {  	s0 =	rddreg [dreg:$0x3];
	s26 =	simm.s32 $0x0;
	s23 =	sand.u32 $0x3, s2  }
0x19: {  	[tilespmem:s2], [sflag:$0x5] =	stream.linear.gather [hbm4b:s0+s2], $0x6400, $0x38;
	[tilespmem:$0x1CA00] =	vst v63  }
0x1a: {  	s24 =	simm.s32 $0x0;
	v4 =	vadd.s32 s26, v1;
	s1 =	smul.u32 $0x6400, s23  }
0x1b: {  	s22 =	sshllo.u32 s23, $0x3;
	s11 =	sshll.u32 s23, $0x3;
	_ =	swait.ge [sflag:s9], $0x6400  }
0x1c: {  	s13 =	smul.u32 $0xC80, s22;
	s0 =	sor.u32 $0x1, s11;
	s30 =	sor.u32 $0x2, s11  }
0x1d: {  	s28 =	sor.u32 $0x3, s11;
	s29 =	sor.u32 $0x4, s11;
	[sflag:s9] =	ssyncset.done $0x0  }
0x1e: {  	s1 =	sshrl.u32 s1, $0x2;
	s26 =	smul.u32 $0xC80, s0;
	[sflag:s9] =	ssyncadd.s32 $0xFFFF9C00  }
0x1f: {  	s25 =	sor.u32 $0x5, s11;
	s31 =	smul.u32 $0xC80, s30;
	s13 =	sshrl.u32 s13, $0x2;
	v5 =	vld.idx.msk [tilespmem:v4+s1+$0x0], $0xffff  }
0x20: {  	s5 =	sshrl.u32 s26, $0x2;
	s26 =	sor.u32 $0x6, s11;
	s1 =	smul.u32 $0xC80, s28;
	v3 =	vld.idx.msk [tilespmem:v4+s13+$0x0], $0xffff  }
0x21: {  	s11 =	smul.u32 $0xC80, s29;
	v6 =	vld.idx.msk [tilespmem:v4+s5+$0x0], $0xffff;
	s13 =	sshrl.u32 s31, $0x2;
	s31 =	simm.s32 $0x1  }
.LBB2_2:
0x22: {  	p0 =	sne.s32 s31, $0xC7;
	v7 =	vld.idx.msk [tilespmem:v4+s13+$0x0], $0xffff;
	s1 =	sshrl.u32 s1, $0x2;
	s5 =	smul.u32 $0xC80, s25  }
0x23: {  	s13 =	sand.u32 $0x3FFFFE00, s24;
	v8 =	vld.idx.msk [tilespmem:v4+s1+$0x0], $0xffff;
	s1 =	sshrl.u32 s11, $0x2;
	s11 =	smul.u32 $0xC80, s26  }
0x24: {  	v9 =	vld.idx.msk [tilespmem:v4+s1+$0x0], $0xffff;
	s1 =	sshrl.u32 s5, $0x2;
	s5 =	sadd.s32 $0x6400, s13;
	s13 =	sshll.u32 s23, $0x7  }
0x25: {  	s0 =	sshll.u32 s0, $0x4;
	v10 =	vld.idx.msk [tilespmem:v4+s1+$0x0], $0xffff;
	s1 =	sshrl.u32 s11, $0x2;
	s11 =	sor.u32 s13, s5  }
0x26: {  	s24 =	sshll.u32 s31, $0x7;
	s0 =	sor.u32 s0, s5;
	v11 =	vld.idx.msk [tilespmem:v4+s1+$0x0], $0xffff;
	[tilespmem:s11+$0x0] =	vst v5;
	s1 =	sshll.u32 s30, $0x4  }
0x27: {  	s23 =	sand.u32 $0x3, s31;
	[tilespmem:s0+$0x0] =	vst v6;
	s0 =	sor.u32 s1, s5;
	s1 =	sshll.u32 s28, $0x4  }
0x28: {  	s11 =	sshrl.u32 s31, $0x2;
	[tilespmem:s0+$0x0] =	vst v7;
	s0 =	sor.u32 s1, s5;
	s1 =	sshll.u32 s29, $0x4  }
0x29: {  	s13 =	sshll.u32 s23, $0x3;
	[tilespmem:s0+$0x0] =	vst v8;
	s0 =	sor.u32 s1, s5;
	s1 =	sshll.u32 s25, $0x4  }
0x2a: {  	v4 =	vadd.s32 s11, v1;
	s11 =	smul.u32 $0x6400, s23;
	[tilespmem:s0+$0x0] =	vst v9;
	s0 =	sor.u32 s1, s5;
	s1 =	sshll.u32 s26, $0x4  }
0x2b: {  	[tilespmem:s0+$0x0] =	vst v10;
	s0 =	sor.u32 s1, s5;
	s1 =	sshll.u32 s22, $0x4;
	s22 =	sshllo.u32 s23, $0x3  }
0x2c: {  	s30 =	sor.u32 $0x2, s13;
	s26 =	smul.u32 $0xC80, s22;
	[tilespmem:s0+$0x0] =	vst v11;
	s1 =	sor.u32 s1, s5  }
.Ltmp2:
0x2d: {  	s28 =	sor.u32 $0x3, s13;
	s0 =	sor.u32 $0x1, s13;
	[tilespmem:s1+$0x0] =	vst v3;
	(pc) =	sbr.rel @p0 .LBB2_2-.Ltmp2, $4  }
0x2e: {  	s29 =	sor.u32 $0x4, s13;
	s1 =	sshrl.u32 s11, $0x2;
	s5 =	smul.u32 $0xC80, s0  }
0x2f: {  	s25 =	sor.u32 $0x5, s13;
	s11 =	smul.u32 $0xC80, s30;
	s8 =	sshrl.u32 s26, $0x2;
	v5 =	vld.idx.msk [tilespmem:v4+s1+$0x0], $0xffff  }
0x30: {  	s26 =	sor.u32 $0x6, s13;
	s5 =	sshrl.u32 s5, $0x2;
	s1 =	smul.u32 $0xC80, s28;
	v3 =	vld.idx.msk [tilespmem:v4+s8+$0x0], $0xffff  }
0x31: {  	s31 =	sadd.s32 $0x1, s31;
	s13 =	sshrl.u32 s11, $0x2;
	s11 =	smul.u32 $0xC80, s29;
	v6 =	vld.idx.msk [tilespmem:v4+s5+$0x0], $0xffff  }
0x32: {  	_ =	sdelay $0x3  }
0x33: {  	v7 =	vld.idx.msk [tilespmem:v4+s13+$0x0], $0xffff;
	s1 =	sshrl.u32 s1, $0x2;
	s5 =	smul.u32 $0xC80, s25  }
0x34: {  	s8 =	smul.u32 $0xC80, s26;
	s13 =	sand.u32 $0x3FFFFE00, s24;
	v8 =	vld.idx.msk [tilespmem:v4+s1+$0x0], $0xffff;
	s11 =	sshrl.u32 s11, $0x2  }
0x35: {  	s31 =	sshll.u32 s23, $0x7;
	v9 =	vld.idx.msk [tilespmem:v4+s11+$0x0], $0xffff;
	s24 =	sshrl.u32 s5, $0x2;
	s5 =	sadd.s32 $0x6400, s13  }
0x36: {  	s0 =	sshll.u32 s0, $0x4;
	s13 =	sshrl.u32 s8, $0x2;
	v10 =	vld.idx.msk [tilespmem:v4+s24+$0x0], $0xffff;
	s23 =	sor.u32 s31, s5  }
0x37: {  	v63 =	vld.idx.msk [tilespmem:v4+s13+$0x0], $0xffff;
	s0 =	sor.u32 s0, s5;
	s24 =	sshll.u32 s30, $0x4;
	[tilespmem:s23+$0x0] =	vst v5  }
0x38: {  	s31 =	sshll.u32 s28, $0x4;
	s30 =	sor.u32 s24, s5;
	[tilespmem:s0+$0x0] =	vst v6  }
0x39: {  	s11 =	sshll.u32 s29, $0x4;
	s8 =	sor.u32 s31, s5;
	[tilespmem:s30+$0x0] =	vst v7  }
0x3a: {  	s13 =	sor.u32 s11, s5;
	s23 =	sshll.u32 s25, $0x4;
	[tilespmem:s8+$0x0] =	vst v8  }
0x3b: {  	s25 =	sshll.u32 s26, $0x4;
	s24 =	sor.u32 s23, s5;
	[tilespmem:s13+$0x0] =	vst v9  }
0x3c: {  	s28 =	sshll.u32 s22, $0x4;
	s26 =	sor.u32 s25, s5;
	[tilespmem:s24+$0x0] =	vst v10  }
0x3d: {  	s29 =	sor.u32 s28, s5;
	[tilespmem:s26+$0x0] =	vst v63  }
0x3e: {  	s30 =	simm.s32 $0x6400;
	[tilespmem:s29+$0x0] =	vst v3  }
0x3f: {  	[tilespmem:s12], [sflag:$0x1] =	stream.indirect.gather [hbm4b:s3+s10], $0x20, s30, s10, $0xb8;
	[tilespmem:$0x1CA00] =	vst v63  }
0x40: {  	s22 =	simm.s32 $0x0;
	s31 =	simm.s32 $0x6600;
	s23 =	simm.s32 $0x0  }
0x41: {  	[tilespmem:s14], [sflag:$0x2] =	stream.indirect.gather [hbm4b:s3+s10], $0x20, s31, s10, $0xb8;
	[tilespmem:$0x1CA00] =	vst v63  }
.LBB2_4:
0x42: {  	_ =	swait.ge [sflag:s15], $0x4000  }
0x43: {  	p0 =	seq.s32 s23, $0x0;
	[sflag:s15] =	ssyncset.done $0x0  }
0x44: {  	s0 =	simm.s32 @!p0 $0x3;
	[sflag:s15] =	ssyncadd.s32 $0xFFFFC000  }
0x45: {  	_ =	swait.ge @!p0 [sflag:s0], $0x4000  }
0x46: {  	s1 =	simm.s32 $0x3;
	[sflag:s0] =	ssyncset.done @!p0 $0x0  }
0x47: {  	s13 =	simm.s32 $0xC840;
	v3 =	vmov s1;
	[sflag:s0] =	ssyncadd.s32 @!p0 $0xFFFFC000  }
0x48: {  	s24 =	simm.s32 $0x1;
	v3 =	vand.u32 $0x1FF, v3;
	v4 =	vld [tilespmem:s13+$0x20]  }
0x49: {  	s25 =	simm.s32 $0x2;
	v6 =	vmov s24;
	v5 =	vadd.s32 v0, v3;
	v7 =	vld [tilespmem:s13+$0x30]  }
0x4a: {  	v11 =	vmov s25;
	v6 =	vand.u32 $0x1FD, v6;
	v8 =	vadd.s32 v2, v3;
	v3 =	vld [tilespmem:s13+$0xFFFFFFD0]  }
0x4b: {  	v11 =	vand.u32 $0x1FE, v11;
	v10 =	vadd.s32 v0, v6;
	v9 =	vld [tilespmem:s13+$0xFFFFFFE0]  }
0x4c: {  	v15 =	vadd.s32 v0, v11;
	v14 =	vld [tilespmem:s13+$0x0]  }
0x4d: {  	s26 =	simm.s32 $0x7;
	v13 =	vmov s22;
	v11 =	vadd.s32 v2, v11;
	v16 =	vld [tilespmem:s13+$0x10]  }
0x4e: {  	v13 =	vand.u32 $0x1FC, v13;
	v6 =	vadd.s32 v2, v6;
	v12 =	vld [tilespmem:s13+$0xFFFFFFF0];
	[tilespmem:v5+s16+$0x0] =	vst.idx.msk $0xffff, v4;
	v4 =	vmov s26  }
0x4f: {  	s25 =	simm.s32 $0xC8C0;
	v17 =	vadd.s32 v0, v13;
	[tilespmem:v8+s16+$0x0] =	vst.idx.msk $0xffff, v7;
	v4 =	vand.u32 $0x1FF, v4;
	v7 =	vld [tilespmem:s13+$0xFFFFFFC0]  }
0x50: {  	s28 =	simm.s32 $0x5;
	v18 =	vld [tilespmem:s25+$0x20];
	[tilespmem:v10+s16+$0x0] =	vst.idx.msk $0xffff, v9;
	v19 =	vadd.s32 v0, v4  }
0x51: {  	v20 =	vld [tilespmem:s25+$0x30];
	v5 =	vmov s28;
	[tilespmem:v15+s16+$0x0] =	vst.idx.msk $0xffff, v14;
	v21 =	vadd.s32 v2, v4  }
0x52: {  	s29 =	simm.s32 $0x6;
	v9 =	vand.u32 $0x1FD, v5;
	[tilespmem:v11+s16+$0x0] =	vst.idx.msk $0xffff, v16;
	v11 =	vadd.s32 v2, v13;
	v4 =	vld [tilespmem:s25+$0xFFFFFFD0]  }
0x53: {  	v10 =	vmov s29;
	[tilespmem:v6+s16+$0x0] =	vst.idx.msk $0xffff, v12;
	v5 =	vld [tilespmem:s25+$0xFFFFFFE0];
	v8 =	vadd.s32 v0, v9  }
0x54: {  	s30 =	simm.s32 $0x4;
	v6 =	vld [tilespmem:s25+$0xFFFFFFF0];
	v13 =	vand.u32 $0x1FE, v10;
	v9 =	vadd.s32 v2, v9;
	[tilespmem:v17+s16+$0x0] =	vst.idx.msk $0xffff, v7  }
0x55: {  	s31 =	simm.s32 $0xB;
	v12 =	vmov s30;
	v10 =	vadd.s32 v0, v13;
	v7 =	vld [tilespmem:s25+$0x0];
	[tilespmem:v19+s16+$0x0] =	vst.idx.msk $0xffff, v18  }
0x56: {  	s24 =	sshll.u32 s23, $0xC;
	s0 =	simm.s32 $0xC;
	s26 =	simm.s32 $0x8;
	v15 =	vmov s31;
	v14 =	vand.u32 $0x1FC, v12;
	v12 =	vld [tilespmem:s25+$0x10];
	v13 =	vadd.s32 v2, v13;
	[tilespmem:v21+s16+$0x0] =	vst.idx.msk $0xffff, v20  }
.LBB2_5:
0x57: {  	p1 =	slt.u32 s0, $0x1FC;
	v15 =	vand.u32 $0x1FF, v15;
	v16 =	vld [tilespmem:s25+$0xFFFFFFC0];
	v17 =	vadd.s32 v0, v14;
	s25 =	sadd.s32 $0x80, s25;
	[tilespmem:v11+s16+$0x0] =	vst.idx.msk $0xffff, v3;
	v3 =	vmov v4  }
0x58: {  	s1 =	sadd.s32 $0x1, s26;
	v18 =	vld [tilespmem:s25+$0x20];
	v19 =	vadd.s32 v0, v15;
	[tilespmem:v8+s16+$0x0] =	vst.idx.msk $0xffff, v5  }
0x59: {  	v5 =	vmov s1;
	v21 =	vadd.s32 v2, v15;
	v20 =	vld [tilespmem:s25+$0x30];
	[tilespmem:v9+s16+$0x0] =	vst.idx.msk $0xffff, v6  }
.Ltmp3:
0x5a: {  	v11 =	vadd.s32 v2, v14;
	s1 =	sadd.s32 $0x2, s26;
	v9 =	vand.u32 $0x1FD, v5;
	v4 =	vld [tilespmem:s25+$0xFFFFFFD0];
	[tilespmem:v10+s16+$0x0] =	vst.idx.msk $0xffff, v7;
	(pc) =	sbr.rel @p1 .LBB2_5-.Ltmp3, $4  }
0x5b: {  	v8 =	vadd.s32 v0, v9;
	v7 =	vmov s1;
	v5 =	vld [tilespmem:s25+$0xFFFFFFE0];
	[tilespmem:v13+s16+$0x0] =	vst.idx.msk $0xffff, v12  }
0x5c: {  	v9 =	vadd.s32 v2, v9;
	v13 =	vand.u32 $0x1FE, v7;
	v6 =	vld [tilespmem:s25+$0xFFFFFFF0];
	[tilespmem:v17+s16+$0x0] =	vst.idx.msk $0xffff, v16  }
0x5d: {  	s1 =	sadd.s32 $0x3, s0;
	v12 =	vmov s26;
	s26 =	smov.u32 s0;
	v10 =	vadd.s32 v0, v13;
	v7 =	vld [tilespmem:s25+$0x0];
	[tilespmem:v19+s16+$0x0] =	vst.idx.msk $0xffff, v18  }
0x5e: {  	v15 =	vmov s1;
	s0 =	sadd.s32 $0x4, s0;
	v14 =	vand.u32 $0x1FC, v12;
	v13 =	vadd.s32 v2, v13;
	v12 =	vld [tilespmem:s25+$0x10];
	[tilespmem:v21+s16+$0x0] =	vst.idx.msk $0xffff, v20  }
0x5f: {  	_ =	sdelay $0x3  }
0x60: {  	v15 =	vand.u32 $0x1FF, v15;
	v16 =	vld [tilespmem:s25+$0xFFFFFFC0];
	v17 =	vadd.s32 v0, v14;
	s0 =	sadd.s32 $0x80, s25;
	[tilespmem:v11+s16+$0x0] =	vst.idx.msk $0xffff, v3  }
0x61: {  	s1 =	sadd.s32 $0x1, s26;
	v3 =	vld [tilespmem:s0+$0x20];
	v50 =	vadd.s32 v0, v15;
	[tilespmem:v8+s16+$0x0] =	vst.idx.msk $0xffff, v5  }
0x62: {  	v53 =	vadd.s32 v2, v14;
	v51 =	vmov s1;
	[tilespmem:v9+s16+$0x0] =	vst.idx.msk $0xffff, v6  }
0x63: {  	s30 =	sadd.s32 $0x2, s26;
	v52 =	vld [tilespmem:s0+$0x30];
	v15 =	vadd.s32 v2, v15;
	v5 =	vand.u32 $0x1FD, v51;
	[tilespmem:v10+s16+$0x0] =	vst.idx.msk $0xffff, v7  }
0x64: {  	v54 =	vld [tilespmem:s0+$0xFFFFFFE0];
	v56 =	vmov s30;
	v55 =	vadd.s32 v0, v5;
	[tilespmem:v13+s16+$0x0] =	vst.idx.msk $0xffff, v12  }
0x65: {  	v57 =	vld [tilespmem:s0+$0xFFFFFFF0];
	v5 =	vadd.s32 v2, v5;
	v10 =	vand.u32 $0x1FE, v56;
	[tilespmem:v17+s16+$0x0] =	vst.idx.msk $0xffff, v16  }
0x66: {  	v58 =	vmov s26;
	v59 =	vld [tilespmem:s0+$0x0];
	v60 =	vadd.s32 v0, v10;
	[tilespmem:v50+s16+$0x0] =	vst.idx.msk $0xffff, v3  }
0x67: {  	v61 =	vld [tilespmem:s0+$0x10];
	v10 =	vadd.s32 v2, v10;
	v3 =	vand.u32 $0x1FC, v58;
	[tilespmem:v53+s16+$0x0] =	vst.idx.msk $0xffff, v4  }
0x68: {  	v62 =	vld [tilespmem:s0+$0xFFFFFFC0];
	[tilespmem:v15+s16+$0x0] =	vst.idx.msk $0xffff, v52;
	v13 =	vadd.s32 v0, v3  }
0x69: {  	v63 =	vld [tilespmem:s0+$0xFFFFFFD0];
	v3 =	vadd.s32 v2, v3;
	[tilespmem:v55+s16+$0x0] =	vst.idx.msk $0xffff, v54  }
0x6a: {  	[tilespmem:v5+s16+$0x0] =	vst.idx.msk $0xffff, v57  }
0x6b: {  	s31 =	sshll.u32 s23, $0x11;
	[tilespmem:v60+s16+$0x0] =	vst.idx.msk $0xffff, v59  }
0x6c: {  	s25 =	sor.u32 s6, s31;
	[tilespmem:v10+s16+$0x0] =	vst.idx.msk $0xffff, v61  }
0x6d: {  	s11 =	simm.s32 $0x800;
	s0 =	sadd.s32 s4, s25;
	[tilespmem:v13+s16+$0x0] =	vst.idx.msk $0xffff, v62  }
0x6e: {  	s26 =	simm.s32 $0x14A08;
	s1 =	simm.s32 $0x14800;
	s13 =	sadd.s32 $0x0, s0;
	[tilespmem:v3+s16+$0x0] =	vst.idx.msk $0xffff, v63  }
.LBB2_7:
0x6f: {  	[hbm4b:s13+s2] =	stream.linear.scatter [tilespmem:s1], [sflag:$0x3], $0x200, $0x38;
	[tilespmem:$0x1CA00] =	vst v63  }
0x70: {  	s5 =	smov.u32 s11;
	s1 =	smov.u32 s26;
	p1 =	sne.s32 s11, $0xF800  }
.Ltmp4:
0x71: {  	s11 =	sadd.s32 $0x800, s11;
	(pc) =	sbr.rel @p1 .LBB2_7-.Ltmp4, $2  }
0x72: {  	_ =	sdelay $0x2  }
0x73: {  	s26 =	sadd.s32 $0x208, s26;
	s13 =	sadd.s32 s5, s0  }
0x74: {  	p1 =	sne.s32 s23, $0x18  }
.Ltmp5:
0x75: {  	_ = 	snop;
	(pc) =	sbr.rel @p1 .LBB2_10-.Ltmp5, $2  }
0x76: {  	_ =	sdelay $0x2  }
0x77: {  	[hbm4b:s13+s2] =	stream.linear.scatter [tilespmem:s1], [sflag:$0x3], $0x200, $0x38;
	[tilespmem:$0x1CA00] =	vst v63  }
.Ltmp6:
0x78: {  	(pc) =	sbr.rel .LBB2_11-.Ltmp6, $4  }
0x79: {  	_ = 	snop  }
0x7a: {  	_ =	swait.ge [sflag:s17], $0x4000  }
0x7b: {  	[sflag:s17] =	ssyncset.done $0x0  }
0x7c: {  	[sflag:s17] =	ssyncadd.s32 $0xFFFFC000  }
.LBB2_10:
0x7d: {  	s0 =	sshrl.u32 s24, $0x2  }
.Ltmp7:
0x7e: {  	s0 =	sadd.s32 $0x6800, s0;
	(pc) =	sbr.rel @p0 .LBB2_12-.Ltmp7, $4  }
0x7f: {  	[tilespmem:s12], [sflag:$0x1] =	stream.indirect.gather [hbm4b:s3+s10], $0x20, s0, s10, $0xb8;
	[tilespmem:$0x1CA00] =	vst v63  }
0x80: {  	_ =	swait.ge [sflag:s17], $0x4000  }
0x81: {  	[sflag:s17] =	ssyncset.done $0x0  }
0x82: {  	[sflag:s17] =	ssyncadd.s32 $0xFFFFC000  }
.LBB2_11:
0x83: {  	_ =	swait.ge [sflag:s18], $0x4000  }
0x84: {  	[sflag:s18] =	ssyncset.done $0x0  }
0x85: {  	[sflag:s18] =	ssyncadd.s32 $0xFFFFC000  }
.LBB2_12:
0x86: {  	s0 =	simm.s32 $0x3  }
0x87: {  	s1 =	simm.s32 $0x10870;
	v3 =	vmov s0  }
0x88: {  	s5 =	simm.s32 $0x1;
	v4 =	vld [tilespmem:s1+$0xFFFFFFF0];
	v3 =	vand.u32 $0x1FF, v3  }
0x89: {  	s8 =	simm.s32 $0x2;
	v6 =	vmov s5;
	v7 =	vld [tilespmem:s1+$0x0];
	v5 =	vadd.s32 v0, v3  }
0x8a: {  	v9 =	vld [tilespmem:s1+$0xFFFFFFB0];
	v11 =	vmov s8;
	v6 =	vand.u32 $0x1FD, v6;
	v8 =	vadd.s32 v2, v3  }
0x8b: {  	v12 =	vld [tilespmem:s1+$0xFFFFFFC0];
	v11 =	vand.u32 $0x1FE, v11;
	v10 =	vadd.s32 v0, v6  }
0x8c: {  	s11 =	simm.s32 $0x0;
	v14 =	vld [tilespmem:s1+$0xFFFFFFD0];
	v15 =	vadd.s32 v0, v11  }
0x8d: {  	s26 =	simm.s32 $0x108F0;
	s5 =	simm.s32 $0x7;
	v13 =	vmov s11;
	v16 =	vld [tilespmem:s1+$0xFFFFFFE0];
	v11 =	vadd.s32 v2, v11  }
0x8e: {  	v18 =	vld [tilespmem:s26+$0xFFFFFFF0];
	v13 =	vand.u32 $0x1FC, v13;
	v6 =	vadd.s32 v2, v6;
	[tilespmem:v5+s19+$0x0] =	vst.idx.msk $0xffff, v4;
	v4 =	vmov s5  }
0x8f: {  	v17 =	vadd.s32 v0, v13;
	[tilespmem:v8+s19+$0x0] =	vst.idx.msk $0xffff, v7;
	v4 =	vand.u32 $0x1FF, v4;
	v7 =	vld [tilespmem:s1+$0xFFFFFF90]  }
0x90: {  	s13 =	simm.s32 $0x5;
	v20 =	vld [tilespmem:s26+$0x0];
	[tilespmem:v10+s19+$0x0] =	vst.idx.msk $0xffff, v9;
	v19 =	vadd.s32 v0, v4  }
0x91: {  	v3 =	vld [tilespmem:s1+$0xFFFFFFA0];
	v5 =	vmov s13;
	[tilespmem:v15+s19+$0x0] =	vst.idx.msk $0xffff, v14;
	v21 =	vadd.s32 v2, v4  }
0x92: {  	s29 =	simm.s32 $0x6;
	v9 =	vand.u32 $0x1FD, v5;
	[tilespmem:v11+s19+$0x0] =	vst.idx.msk $0xffff, v16;
	v11 =	vadd.s32 v2, v13;
	v4 =	vld [tilespmem:s26+$0xFFFFFFA0]  }
0x93: {  	v10 =	vmov s29;
	[tilespmem:v6+s19+$0x0] =	vst.idx.msk $0xffff, v12;
	v5 =	vld [tilespmem:s26+$0xFFFFFFB0];
	v8 =	vadd.s32 v0, v9  }
0x94: {  	s30 =	simm.s32 $0x4;
	v6 =	vld [tilespmem:s26+$0xFFFFFFC0];
	v13 =	vand.u32 $0x1FE, v10;
	v9 =	vadd.s32 v2, v9;
	[tilespmem:v17+s19+$0x0] =	vst.idx.msk $0xffff, v7  }
0x95: {  	s31 =	simm.s32 $0xB;
	v12 =	vmov s30;
	v10 =	vadd.s32 v0, v13;
	v7 =	vld [tilespmem:s26+$0xFFFFFFD0];
	[tilespmem:v19+s19+$0x0] =	vst.idx.msk $0xffff, v18  }
0x96: {  	s28 =	simm.s32 $0x8;
	s0 =	simm.s32 $0xC;
	v15 =	vmov s31;
	v14 =	vand.u32 $0x1FC, v12;
	v12 =	vld [tilespmem:s26+$0xFFFFFFE0];
	v13 =	vadd.s32 v2, v13;
	[tilespmem:v21+s19+$0x0] =	vst.idx.msk $0xffff, v20  }
.LBB2_13:
0x97: {  	p0 =	slt.u32 s0, $0x1FC;
	v15 =	vand.u32 $0x1FF, v15;
	v16 =	vld [tilespmem:s26+$0xFFFFFF90];
	v17 =	vadd.s32 v0, v14;
	s26 =	sadd.s32 $0x80, s26;
	[tilespmem:v11+s19+$0x0] =	vst.idx.msk $0xffff, v3;
	v3 =	vmov v4  }
0x98: {  	s1 =	sadd.s32 $0x1, s28;
	v18 =	vld [tilespmem:s26+$0xFFFFFFF0];
	v19 =	vadd.s32 v0, v15;
	[tilespmem:v8+s19+$0x0] =	vst.idx.msk $0xffff, v5  }
0x99: {  	v5 =	vmov s1;
	v21 =	vadd.s32 v2, v15;
	v20 =	vld [tilespmem:s26+$0x0];
	[tilespmem:v9+s19+$0x0] =	vst.idx.msk $0xffff, v6  }
.Ltmp8:
0x9a: {  	v11 =	vadd.s32 v2, v14;
	s1 =	sadd.s32 $0x2, s28;
	v9 =	vand.u32 $0x1FD, v5;
	v4 =	vld [tilespmem:s26+$0xFFFFFFA0];
	[tilespmem:v10+s19+$0x0] =	vst.idx.msk $0xffff, v7;
	(pc) =	sbr.rel @p0 .LBB2_13-.Ltmp8, $4  }
0x9b: {  	v8 =	vadd.s32 v0, v9;
	v7 =	vmov s1;
	v5 =	vld [tilespmem:s26+$0xFFFFFFB0];
	[tilespmem:v13+s19+$0x0] =	vst.idx.msk $0xffff, v12  }
0x9c: {  	v9 =	vadd.s32 v2, v9;
	v13 =	vand.u32 $0x1FE, v7;
	v6 =	vld [tilespmem:s26+$0xFFFFFFC0];
	[tilespmem:v17+s19+$0x0] =	vst.idx.msk $0xffff, v16  }
0x9d: {  	s1 =	sadd.s32 $0x3, s0;
	v12 =	vmov s28;
	s28 =	smov.u32 s0;
	v10 =	vadd.s32 v0, v13;
	v7 =	vld [tilespmem:s26+$0xFFFFFFD0];
	[tilespmem:v19+s19+$0x0] =	vst.idx.msk $0xffff, v18  }
0x9e: {  	v15 =	vmov s1;
	s0 =	sadd.s32 $0x4, s0;
	v14 =	vand.u32 $0x1FC, v12;
	v13 =	vadd.s32 v2, v13;
	v12 =	vld [tilespmem:s26+$0xFFFFFFE0];
	[tilespmem:v21+s19+$0x0] =	vst.idx.msk $0xffff, v20  }
0x9f: {  	_ =	sdelay $0x3  }
0xa0: {  	v15 =	vand.u32 $0x1FF, v15;
	v16 =	vld [tilespmem:s26+$0xFFFFFF90];
	v17 =	vadd.s32 v0, v14;
	s0 =	sadd.s32 $0x80, s26;
	[tilespmem:v11+s19+$0x0] =	vst.idx.msk $0xffff, v3  }
0xa1: {  	s1 =	sadd.s32 $0x1, s28;
	v3 =	vld [tilespmem:s0+$0xFFFFFFF0];
	v50 =	vadd.s32 v0, v15;
	[tilespmem:v8+s19+$0x0] =	vst.idx.msk $0xffff, v5  }
0xa2: {  	v53 =	vadd.s32 v2, v14;
	v51 =	vmov s1;
	[tilespmem:v9+s19+$0x0] =	vst.idx.msk $0xffff, v6  }
0xa3: {  	s31 =	sadd.s32 $0x2, s28;
	v52 =	vld [tilespmem:s0+$0x0];
	v15 =	vadd.s32 v2, v15;
	v5 =	vand.u32 $0x1FD, v51;
	[tilespmem:v10+s19+$0x0] =	vst.idx.msk $0xffff, v7  }
0xa4: {  	v54 =	vld [tilespmem:s0+$0xFFFFFFB0];
	v56 =	vmov s31;
	v55 =	vadd.s32 v0, v5;
	[tilespmem:v13+s19+$0x0] =	vst.idx.msk $0xffff, v12  }
0xa5: {  	v57 =	vld [tilespmem:s0+$0xFFFFFFC0];
	v5 =	vadd.s32 v2, v5;
	v10 =	vand.u32 $0x1FE, v56;
	[tilespmem:v17+s19+$0x0] =	vst.idx.msk $0xffff, v16  }
0xa6: {  	v58 =	vmov s28;
	v59 =	vld [tilespmem:s0+$0xFFFFFFD0];
	v60 =	vadd.s32 v0, v10;
	[tilespmem:v50+s19+$0x0] =	vst.idx.msk $0xffff, v3  }
0xa7: {  	v61 =	vld [tilespmem:s0+$0xFFFFFFE0];
	v10 =	vadd.s32 v2, v10;
	v3 =	vand.u32 $0x1FC, v58;
	[tilespmem:v53+s19+$0x0] =	vst.idx.msk $0xffff, v4  }
0xa8: {  	v62 =	vld [tilespmem:s0+$0xFFFFFF90];
	[tilespmem:v15+s19+$0x0] =	vst.idx.msk $0xffff, v52;
	v13 =	vadd.s32 v0, v3  }
0xa9: {  	v63 =	vld [tilespmem:s0+$0xFFFFFFA0];
	v3 =	vadd.s32 v2, v3;
	[tilespmem:v55+s19+$0x0] =	vst.idx.msk $0xffff, v54  }
0xaa: {  	[tilespmem:v5+s19+$0x0] =	vst.idx.msk $0xffff, v57  }
0xab: {  	[tilespmem:v60+s19+$0x0] =	vst.idx.msk $0xffff, v59  }
0xac: {  	[tilespmem:v10+s19+$0x0] =	vst.idx.msk $0xffff, v61  }
0xad: {  	s11 =	simm.s32 $0x800;
	s0 =	sadd.s32 s25, s7;
	[tilespmem:v13+s19+$0x0] =	vst.idx.msk $0xffff, v62  }
0xae: {  	s1 =	simm.s32 $0x18900;
	s25 =	simm.s32 $0x18B08;
	s13 =	sadd.s32 $0x0, s0;
	[tilespmem:v3+s19+$0x0] =	vst.idx.msk $0xffff, v63  }
.LBB2_15:
0xaf: {  	[hbm4b:s13+s2] =	stream.linear.scatter [tilespmem:s1], [sflag:$0x4], $0x200, $0x38;
	[tilespmem:$0x1CA00] =	vst v63  }
0xb0: {  	s5 =	smov.u32 s11;
	s1 =	smov.u32 s25;
	p0 =	sne.s32 s11, $0xF800  }
.Ltmp9:
0xb1: {  	s11 =	sadd.s32 $0x800, s11;
	(pc) =	sbr.rel @p0 .LBB2_15-.Ltmp9, $2  }
0xb2: {  	_ =	sdelay $0x2  }
0xb3: {  	s25 =	sadd.s32 $0x208, s25;
	s13 =	sadd.s32 s5, s0  }
0xb4: {  	p0 =	seq.s32 s23, $0x18  }
.Ltmp10:
0xb5: {  	_ = 	snop;
	(pc) =	sbr.rel @p0 .LBB2_18-.Ltmp10, $2  }
0xb6: {  	_ =	sdelay $0x2  }
0xb7: {  	[hbm4b:s13+s2] =	stream.linear.scatter [tilespmem:s1], [sflag:$0x4], $0x200, $0x38;
	[tilespmem:$0x1CA00] =	vst v63  }
.Ltmp11:
0xb8: {  	(pc) =	sbr.rel .LBB2_4-.Ltmp11, $4  }
0xb9: {  	_ = 	snop  }
0xba: {  	s0 =	sshrl.u32 s24, $0x2  }
0xbb: {  	s23 =	sadd.s32 $0x1, s23;
	s0 =	sadd.s32 $0x6A00, s0  }
0xbc: {  	[tilespmem:s14], [sflag:$0x2] =	stream.indirect.gather [hbm4b:s3+s10], $0x20, s0, s10, $0xb8;
	[tilespmem:$0x1CA00] =	vst v63  }
.LBB2_19:
0xbd: {  	_ =	sfence.sel $0x180000  }
0xbe: {  	[bflag:$0x0] =	sbarrier.arrive $0xFFFF  }
0xbf: {  	_ =	strace $0x90000047  }
0xc0: {  	s0 =	stileid.u32;
	[bflag:$0x2] =	sbarrier.arrive $0xFFFF  }
0xc1: {  	p0 =	sne.s32 s0, $0x0;
	s0 =	rddreg [dreg:$0x2]  }
0xc2: {  	s0 =	sadd.s32 @!p0 $0x100000, s0  }
0xc3: {  	[sflag:s0] =	ssyncadd.tile.s32 @!p0 $0x1;
	_ =	shalt  }
.Lfunc_end2:
_tile_overlayer_lowered:
.L_overlay_start_2:
0xc4: {  	(tag) =	ssettag $0x2  }
0xc5: {  	s0 =	rddreg [dreg:$0x0];
	s2 =	stileid.u32  }
0xc6: {  	s1 =	rddreg [dreg:$0x1];
	p0 =	sne.s32 s2, $0x0  }
0xc7: {  	s3 =	rddreg [dreg:$0x2];
	[bflag:$0x3] =	sbarrier.arrive $0xFFFF;
	s2 =	simm.s32 @!p0 $0x1C05  }
0xc8: {  	[timem:s3], [sflag:s2] =	dma.local @!p0 [hbm:s0], s1  }
0xc9: {  	s0 =	simm.s32 @!p0 $0x5  }
0xca: {  	_ =	swait.ge @!p0 [sflag:s0], s1  }
0xcb: {  	s1 =	ssub.s32 @!p0 $0x0, s1;
	[sflag:s0] =	ssyncset.done @!p0 $0x0  }
0xcc: {  	[sflag:s0] =	ssyncadd.s32 @!p0 s1  }
0xcd: {  	[bflag:$0x3] =	sbarrier.arrive $0xFFFF  }
0xce: {  	_ =	shalt  }

</sc_bundles>
